<compile_context>
chip_gen: v7x
topology: tpu7x:2x2x1
jax: 0.10.2.dev20260603
libtpu: 0.0.44.dev20260713+nightly
codegen_flags: <defaults>
</compile_context>

<pallas_src>
import dataclasses
import functools

import jax
import jax.numpy as jnp
import numpy as np
from jax import lax
from jax.experimental import pallas as pl
from jax.experimental.pallas import tpu as pltpu
from jax.experimental.pallas import tpu_sc as plsc

B = 4
P = 1024
D = 128
S = 512
MAXN = 64
R2 = np.float32(0.2 ** 2)
INF = np.float32(np.inf)
CS = 32
NW = 32
RPW = (B * S) // NW
GR = 8
IMAX = np.int32(0x7F7FFFFF)


def _fps_kernel(px_ref, py_ref, pz_ref, samp_ref):
    px = px_ref[...]
    py = py_ref[...]
    pz = pz_ref[...]
    iota = lax.broadcasted_iota(jnp.int32, (B, P), 1)
    iota_s = lax.broadcasted_iota(jnp.int32, (1, S), 1)

    def step(k, carry):
        min_d, last, samp = carry
        oh_k = (iota_s == k).astype(jnp.float32)
        samp = samp + jnp.dot(last.astype(jnp.float32), oh_k,
                              precision=lax.Precision.HIGHEST,
                              preferred_element_type=jnp.float32)
        oh = iota == last
        lx = jnp.sum(jnp.where(oh, px, 0.0), axis=1, keepdims=True)
        ly = jnp.sum(jnp.where(oh, py, 0.0), axis=1, keepdims=True)
        lz = jnp.sum(jnp.where(oh, pz, 0.0), axis=1, keepdims=True)
        dx = px - lx
        dy = py - ly
        dz = pz - lz
        d = (dx * dx + dy * dy) + dz * dz
        min_d = jnp.minimum(min_d, d)
        m = jnp.max(min_d, axis=1, keepdims=True)
        nxt = jnp.min(jnp.where(min_d == m, iota, P), axis=1, keepdims=True)
        return min_d, nxt.astype(jnp.int32), samp

    init = (
        jnp.full((B, P), INF, dtype=jnp.float32),
        jnp.zeros((B, 1), dtype=jnp.int32),
        jnp.zeros((B, S), dtype=jnp.float32),
    )
    _, _, samp = lax.fori_loop(0, S, step, init)
    samp_ref[...] = samp.astype(jnp.int32)


def _dist_kernel(px_ref, py_ref, pz_ref, samp_ref, d2_ref, thr_ref, q_ref):
    pxb = px_ref[0]
    pyb = py_ref[0]
    pzb = pz_ref[0]
    sb = samp_ref[0]
    iota = lax.broadcasted_iota(jnp.int32, (S, P), 1)
    ohq = iota == sb
    qx = jnp.sum(jnp.where(ohq, pxb, 0.0), axis=1, keepdims=True)
    qy = jnp.sum(jnp.where(ohq, pyb, 0.0), axis=1, keepdims=True)
    qz = jnp.sum(jnp.where(ohq, pzb, 0.0), axis=1, keepdims=True)
    q_ref[0, :, 0:1] = qx
    q_ref[0, :, 1:2] = qy
    q_ref[0, :, 2:3] = qz
    dx = qx - pxb
    dy = qy - pyb
    dz = qz - pzb
    d2 = (dx * dx + dy * dy) + dz * dz
    d2_ref[0] = d2
    inrad = d2 <= R2
    counts = jnp.sum(inrad.astype(jnp.int32), axis=1, keepdims=True)
    thr_ref[0] = jnp.full((S, 1), R2, dtype=jnp.float32)
    maxcnt = jnp.max(counts)

    @pl.when(maxcnt > MAXN)
    def _():
        u = jnp.where(inrad, lax.bitcast_convert_type(d2, jnp.int32), IMAX)

        def bs(_, carry):
            lo, hi = carry
            mid = lo + ((hi - lo) >> 1)
            cnt = jnp.sum((u <= mid).astype(jnp.int32), axis=1, keepdims=True)
            ge = cnt >= MAXN
            hi = jnp.where(ge, mid, hi)
            lo = jnp.where(ge, lo, mid + 1)
            return lo, hi

        lo0 = jnp.zeros((S, 1), dtype=jnp.int32)
        hi0 = jnp.full((S, 1), IMAX, dtype=jnp.int32)
        _, hi = lax.fori_loop(0, 31, bs, (lo0, hi0))
        t64 = lax.bitcast_convert_type(hi, jnp.float32)
        thr_ref[0] = jnp.where(counts > MAXN, t64, R2)


def _sc_stage(d2_hbm, thr_hbm, nbr_hbm, val_hbm,
              d2v, thrs, buf, idxg, valg, sem):
    wid = lax.axis_index("s") * 2 + lax.axis_index("c")
    base = wid * RPW
    iota16 = lax.iota(jnp.int32, 16)
    zero16 = jnp.zeros((16,), jnp.int32)
    pltpu.sync_copy(thr_hbm.at[pl.ds(base, RPW)], thrs)

    @pl.loop(0, RPW // GR)
    def _(g):
        pltpu.sync_copy(d2_hbm.at[pl.ds((base + g * GR) * P, GR * P)], d2v)
        for rr in range(GR):
            q = g * GR + rr
            t = plsc.load_gather(thrs, [jnp.full((16,), q, jnp.int32)])
            for c4 in range(4):
                buf[pl.ds(c4 * 16, 16)] = zero16

            def scan_pass(eq, c0_in, rr=rr, t=t):
                def body(c, c0v):
                    v = d2v[pl.ds(rr * P + c * 16, 16)]
                    m = (v == t) if eq else (v < t)
                    pop = plsc.all_reduce_population_count(m)
                    mi = m.astype(jnp.int32)
                    s = plsc.cumsum(mi)
                    plsc.store_scatter(buf, [s - mi + c0v],
                                       iota16 + c * 16, mask=m)
                    return c0v + pop
                return lax.fori_loop(0, P // 16, body, c0_in)

            cnt1 = scan_pass(False, jnp.zeros((16,), jnp.int32))
            cnt2 = scan_pass(True, cnt1)
            tot = jnp.minimum(cnt2, MAXN)
            for c4 in range(4):
                lane = iota16 + c4 * 16
                valg[pl.ds(rr * MAXN + c4 * 16, 16)] = jnp.where(
                    lane < tot, 1.0, 0.0).astype(jnp.float32)
                idxg[pl.ds(rr * MAXN + c4 * 16, 16)] = buf[pl.ds(c4 * 16, 16)]
        pltpu.sync_copy(idxg, nbr_hbm.at[pl.ds((base + g * GR) * MAXN,
                                               GR * MAXN)])
        pltpu.sync_copy(valg, val_hbm.at[pl.ds((base + g * GR) * MAXN,
                                               GR * MAXN)])


def _table_kernel(x_ref, pxf_ref, pyf_ref, pzf_ref, w0x_ref, w0p_ref, b0_ref,
                  t_ref):
    t = jnp.dot(x_ref[...], w0x_ref[...], preferred_element_type=jnp.float32)
    t = t + pxf_ref[...] * w0p_ref[0:1, :]
    t = t + pyf_ref[...] * w0p_ref[1:2, :]
    t = t + pzf_ref[...] * w0p_ref[2:3, :]
    t_ref[...] = t + b0_ref[...]


def _conv_kernel(t_ref, nbr_ref, val_ref, q_ref, w0p_ref, w1_ref, b1_ref,
                 w2_ref, b2_ref, out_ref):
    nbr = nbr_ref[0]
    iota_p = lax.broadcasted_iota(jnp.int32, (CS, MAXN, P), 2)
    oh = (iota_p == nbr[:, :, None]).astype(jnp.float32)
    g = jnp.dot(oh.reshape(CS * MAXN, P), t_ref[0],
                preferred_element_type=jnp.float32)
    qx = q_ref[0][:, 0:1]
    qy = q_ref[0][:, 1:2]
    qz = q_ref[0][:, 2:3]
    qw = (qx * w0p_ref[0:1, :] + qy * w0p_ref[1:2, :]
          + qz * w0p_ref[2:3, :])
    h1 = jnp.maximum(g.reshape(CS, MAXN, 64) - qw[:, None, :], 0.0)
    h2 = jnp.maximum(
        jnp.dot(h1.reshape(CS * MAXN, 64), w1_ref[...],
                preferred_element_type=jnp.float32) + b1_ref[...], 0.0)
    h3 = jnp.maximum(
        jnp.dot(h2, w2_ref[...],
                preferred_element_type=jnp.float32) + b2_ref[...], 0.0)
    h3 = h3.reshape(CS, MAXN, D)
    val = val_ref[0]
    h3 = jnp.where(val[:, :, None] > 0.5, h3, -INF)
    out_ref[0] = jnp.max(h3, axis=1)


def kernel(x, pos, batch, W0, b0, W1, b1, W2, b2):
    pb = pos.reshape(B, P, 3)
    px = pb[:, :, 0].reshape(B, 1, P)
    py = pb[:, :, 1].reshape(B, 1, P)
    pz = pb[:, :, 2].reshape(B, 1, P)

    samp = pl.pallas_call(
        _fps_kernel,
        out_shape=jax.ShapeDtypeStruct((B, S), jnp.int32),
    )(px.reshape(B, P), py.reshape(B, P), pz.reshape(B, P))

    samp_t = samp.reshape(B, S, 1)
    d2, thr, q = pl.pallas_call(
        _dist_kernel,
        grid=(B,),
        in_specs=[
            pl.BlockSpec((1, 1, P), lambda b: (b, 0, 0)),
            pl.BlockSpec((1, 1, P), lambda b: (b, 0, 0)),
            pl.BlockSpec((1, 1, P), lambda b: (b, 0, 0)),
            pl.BlockSpec((1, S, 1), lambda b: (b, 0, 0)),
        ],
        out_specs=[
            pl.BlockSpec((1, S, P), lambda b: (b, 0, 0)),
            pl.BlockSpec((1, S, 1), lambda b: (b, 0, 0)),
            pl.BlockSpec((1, S, 3), lambda b: (b, 0, 0)),
        ],
        out_shape=[
            jax.ShapeDtypeStruct((B, S, P), jnp.float32),
            jax.ShapeDtypeStruct((B, S, 1), jnp.float32),
            jax.ShapeDtypeStruct((B, S, 3), jnp.float32),
        ],
    )(px, py, pz, samp_t)

    W0x = W0[:D]
    W0p = W0[D:]
    tg = pl.pallas_call(
        _table_kernel,
        out_shape=jax.ShapeDtypeStruct((B * P, 64), jnp.float32),
    )(x, pos[:, 0:1], pos[:, 1:2], pos[:, 2:3], W0x, W0p,
      b0.reshape(1, 64))

    mesh = plsc.VectorSubcoreMesh(core_axis_name="c", subcore_axis_name="s")
    cp = pltpu.CompilerParams()
    if "needs_layout_passes" in pltpu.CompilerParams.__dataclass_fields__:
        cp = dataclasses.replace(cp, needs_layout_passes=False)
    sc = functools.partial(
        pl.kernel,
        mesh=mesh,
        compiler_params=cp,
        out_type=[
            jax.ShapeDtypeStruct((B * S * MAXN,), jnp.int32),
            jax.ShapeDtypeStruct((B * S * MAXN,), jnp.float32),
        ],
        scratch_types=[
            pltpu.VMEM((GR * P,), jnp.float32),
            pltpu.VMEM((RPW,), jnp.float32),
            pltpu.VMEM((P,), jnp.int32),
            pltpu.VMEM((GR * MAXN,), jnp.int32),
            pltpu.VMEM((GR * MAXN,), jnp.float32),
            pltpu.SemaphoreType.DMA,
        ],
    )(_sc_stage)
    nbr, valf = sc(d2.reshape(B * S * P), thr.reshape(B * S))

    out = pl.pallas_call(
        _conv_kernel,
        grid=(B, S // CS),
        in_specs=[
            pl.BlockSpec((1, P, 64), lambda b, c: (b, 0, 0)),
            pl.BlockSpec((1, CS, MAXN), lambda b, c: (b, c, 0)),
            pl.BlockSpec((1, CS, MAXN), lambda b, c: (b, c, 0)),
            pl.BlockSpec((1, CS, 3), lambda b, c: (b, c, 0)),
            pl.BlockSpec((3, 64), lambda b, c: (0, 0)),
            pl.BlockSpec((64, 64), lambda b, c: (0, 0)),
            pl.BlockSpec((1, 64), lambda b, c: (0, 0)),
            pl.BlockSpec((64, D), lambda b, c: (0, 0)),
            pl.BlockSpec((1, D), lambda b, c: (0, 0)),
        ],
        out_specs=pl.BlockSpec((1, CS, D), lambda b, c: (b, c, 0)),
        out_shape=jax.ShapeDtypeStruct((B, S, D), jnp.float32),
    )(tg.reshape(B, P, 64), nbr.reshape(B, S, MAXN),
      valf.reshape(B, S, MAXN), q, W0p, W1, b1.reshape(1, 64),
      W2, b2.reshape(1, D))

    out = out.reshape(B * S, D)
    pos_flat = q.reshape(B * S, 3)
    batch_flat = jnp.repeat(jnp.arange(B, dtype=jnp.int32), S)
    return out, pos_flat, batch_flat

# --- scband reference (transcript-rebuilt; emitter-appended) ---
"""Pipeline reference for scband-set-abstraction-layer-34763465294633 (READ-ONLY COPY).

The authoritative reference and input builder live on the scoring server;
editing this copy changes nothing except your own understanding.
"""

import jax, jax.numpy as jnp
import numpy as np

B, P, D = 4, 1024, 128
RATIO = 0.5
RADIUS = 0.2
MAXN = 64
S_PER = int(P * RATIO)
MLP = [D + 3, 64, 64, 128]


def setup_inputs(seed: int = 0) -> dict:
    key = jax.random.key(seed)
    ks = jax.random.split(key, 2 + 2 * (len(MLP) - 1))
    x = jax.random.normal(ks[0], (B * P, D), dtype=jnp.float32)
    pos = jax.random.uniform(ks[1], (B * P, 3), dtype=jnp.float32)
    batch = jnp.repeat(jnp.arange(B, dtype=jnp.int32), P)
    inp = {"x": x, "pos": pos, "batch": batch}
    for i in range(len(MLP) - 1):
        inp["W%d" % i] = jax.random.normal(ks[2 + 2 * i], (MLP[i], MLP[i + 1]), dtype=jnp.float32) * (1.0 / np.sqrt(MLP[i]))
        inp["b%d" % i] = jnp.zeros((MLP[i + 1],), dtype=jnp.float32)
    return inp


def fps_single(pos_c):
    # farthest point sampling on one cloud (P,3) -> (S_PER,) int32 indices
    def step(carry, _):
        min_d, last = carry
        d = jnp.sum((pos_c - pos_c[last]) ** 2, axis=-1)
        min_d = jnp.minimum(min_d, d)
        nxt = jnp.argmax(min_d).astype(jnp.int32)
        return (min_d, nxt), last
    init = (jnp.full((P,), jnp.inf, dtype=jnp.float32), jnp.int32(0))
    _, idxs = jax.lax.scan(step, init, None, length=S_PER)
    return idxs


def radius_neighbors(pos_c, samp_idx):
    # for each sampled centroid, up to MAXN nearest source points within RADIUS
    q = pos_c[samp_idx]  # (S,3)
    d2 = jnp.sum((q[:, None, :] - pos_c[None, :, :]) ** 2, axis=-1)  # (S,P)
    neg = jnp.where(d2 <= RADIUS ** 2, -d2, -jnp.inf)
    vals, nbr = jax.lax.top_k(neg, MAXN)
    valid = vals > -jnp.inf
    return nbr, valid


def point_conv_cloud(x_c, pos_c, samp_idx, nbr, valid, Ws, bs):
    # PointNetConv: h_i = max_j MLP([x_j, pos_j - pos_i]) over neighbors j of centroid i
    q = pos_c[samp_idx]              # (S,3)
    xj = x_c[nbr]                    # (S,MAXN,D) gather
    pj = pos_c[nbr]                  # (S,MAXN,3) gather
    rel = pj - q[:, None, :]
    h = jnp.concatenate([xj, rel], axis=-1)  # (S,MAXN,D+3)
    for W, b in zip(Ws, bs):
        h = jax.nn.relu(h @ W + b)
    h = jnp.where(valid[:, :, None], h, -jnp.inf)
    return jnp.max(h, axis=1)  # max aggregation


def reference(x, pos, batch, W0, b0, W1, b1, W2, b2):
    xb = x.reshape(B, P, D)
    pb = pos.reshape(B, P, 3)
    samp = jax.vmap(fps_single)(pb)                     # fps per cloud
    nbr, valid = jax.vmap(radius_neighbors)(pb, samp)   # radius graph per cloud
    Ws = (W0, W1, W2)
    bs = (b0, b1, b2)
    out = jax.vmap(lambda xc, pc, si, nb, vl: point_conv_cloud(xc, pc, si, nb, vl, Ws, bs))(xb, pb, samp, nbr, valid)
    out = out.reshape(B * S_PER, MLP[-1])
    flat = (samp + (jnp.arange(B, dtype=jnp.int32) * P)[:, None]).reshape(-1)
    return out, pos[flat], batch[flat]

if __name__ == "__main__":
    import jax
    _d = setup_inputs()
    print(jax.jit(kernel)(*tuple(_d.values())))

</pallas_src>

<mosaic_0001>
#map = affine_map<(d0, d1) -> (0)>
module attributes {stable_mosaic.version = 14 : i64} {
  func.func @_sc_stage(%arg0: i32, %arg1: i32, %arg2: memref<2097152xf32, #tpu.memory_space<hbm>>, %arg3: memref<2048xf32, #tpu.memory_space<hbm>>, %arg4: memref<131072xi32, #tpu.memory_space<hbm>>, %arg5: memref<131072xf32, #tpu.memory_space<hbm>>, %arg6: memref<8192xf32, #tpu.memory_space<vmem>>, %arg7: memref<64xf32, #tpu.memory_space<vmem>>, %arg8: memref<1024xi32, #tpu.memory_space<vmem>>, %arg9: memref<512xi32, #tpu.memory_space<vmem>>, %arg10: memref<512xf32, #tpu.memory_space<vmem>>, %arg11: memref<!tpu.dma_semaphore, #tpu.memory_space<semaphore_mem>>) attributes {dimension_semantics = [#tpu.dimension_semantics<core_parallel>, #tpu.dimension_semantics<subcore_parallel>], iteration_bounds = array<i64: 2, 16>, scalar_prefetch = 0 : i64, scratch_operands = 6 : i64, tpu.core_type = #tpu.core_type<sc_vector_subcore>, window_params = [{transform_indices = #map}, {transform_indices = #map}, {transform_indices = #map}, {transform_indices = #map}]} {
    %mul3A = arith.constant 2 : i32
    %mul3A_0 = arith.muli %arg1, %mul3A : i32
    %add3A = arith.addi %mul3A_0, %arg0 : i32
    %mul3A_1 = arith.constant 64 : i32
    %mul3A_2 = arith.muli %add3A, %mul3A_1 : i32
    %iota3A = tpu.iota {dimensions = array<i32: 0>} : vector<16xi32>
    %broadcast_in_dim3A = arith.constant 0 : i32
    %broadcast_in_dim3A_3 = vector.broadcast %broadcast_in_dim3A : i32 to vector<16xi32>
    "tpu.region"() ({
      %run_scoped3A = tpu.sem_alloc : memref<!tpu.dma_semaphore, #tpu.memory_space<semaphore_mem>>
      %dma_start3A = tpu.memref_slice %arg3[%mul3A_2] : memref<2048xf32, #tpu.memory_space<hbm>> -> memref<64xf32, #tpu.memory_space<hbm>>
      %dma_start3A_8 = tpu.memref_slice %arg3[%mul3A_2] : memref<2048xf32, #tpu.memory_space<hbm>> -> memref<64xf32, #tpu.memory_space<hbm>>
      tpu.enqueue_dma source(%dma_start3A_8 : memref<64xf32, #tpu.memory_space<hbm>>) target(%arg7 : memref<64xf32, #tpu.memory_space<vmem>>) target_semaphore(%run_scoped3A : memref<!tpu.dma_semaphore, #tpu.memory_space<semaphore_mem>>)
      %dma_wait3A = tpu.memref_slice %arg3[%mul3A_2] : memref<2048xf32, #tpu.memory_space<hbm>> -> memref<64xf32, #tpu.memory_space<hbm>>
      %dma_wait3A_9 = tpu.memref_slice %arg3[%mul3A_2] : memref<2048xf32, #tpu.memory_space<hbm>> -> memref<64xf32, #tpu.memory_space<hbm>>
      tpu.wait_dma2 semaphore(%run_scoped3A : memref<!tpu.dma_semaphore, #tpu.memory_space<semaphore_mem>>) src(%dma_wait3A_9 : memref<64xf32, #tpu.memory_space<hbm>>) dst(%arg7 : memref<64xf32, #tpu.memory_space<vmem>>)
      tpu.yield
    }) : () -> ()
    %scan3A = arith.constant 0 : i32
    %scan3A_4 = arith.constant 8 : i32
    %scan3A_5 = arith.addi %scan3A, %scan3A_4 : i32
    %scan3A_6 = arith.constant 1 : i32
    scf.for %scan3A_8 = %scan3A to %scan3A_5 step %scan3A_6  : i32 {
      %mul3A_9 = arith.constant 1 : i32
      %mul3A_10 = arith.muli %scan3A_8, %mul3A_9 : i32
      %add3A_11 = arith.constant 0 : i32
      %add3A_12 = arith.addi %add3A_11, %mul3A_10 : i32
      %mul3A_13 = arith.constant 8 : i32
      %mul3A_14 = arith.muli %add3A_12, %mul3A_13 : i32
      %add3A_15 = arith.addi %mul3A_2, %mul3A_14 : i32
      %mul3A_16 = arith.constant 1024 : i32
      %mul3A_17 = arith.muli %add3A_15, %mul3A_16 : i32
      "tpu.region"() ({
        %run_scoped3A = tpu.sem_alloc : memref<!tpu.dma_semaphore, #tpu.memory_space<semaphore_mem>>
        %dma_start3A = tpu.memref_slice %arg2[%mul3A_17] : memref<2097152xf32, #tpu.memory_space<hbm>> -> memref<8192xf32, #tpu.memory_space<hbm>>
        %dma_start3A_749 = tpu.memref_slice %arg2[%mul3A_17] : memref<2097152xf32, #tpu.memory_space<hbm>> -> memref<8192xf32, #tpu.memory_space<hbm>>
        tpu.enqueue_dma source(%dma_start3A_749 : memref<8192xf32, #tpu.memory_space<hbm>>) target(%arg6 : memref<8192xf32, #tpu.memory_space<vmem>>) target_semaphore(%run_scoped3A : memref<!tpu.dma_semaphore, #tpu.memory_space<semaphore_mem>>)
        %dma_wait3A = tpu.memref_slice %arg2[%mul3A_17] : memref<2097152xf32, #tpu.memory_space<hbm>> -> memref<8192xf32, #tpu.memory_space<hbm>>
        %dma_wait3A_750 = tpu.memref_slice %arg2[%mul3A_17] : memref<2097152xf32, #tpu.memory_space<hbm>> -> memref<8192xf32, #tpu.memory_space<hbm>>
        tpu.wait_dma2 semaphore(%run_scoped3A : memref<!tpu.dma_semaphore, #tpu.memory_space<semaphore_mem>>) src(%dma_wait3A_750 : memref<8192xf32, #tpu.memory_space<hbm>>) dst(%arg6 : memref<8192xf32, #tpu.memory_space<vmem>>)
        tpu.yield
      }) : () -> ()
      %mul3A_18 = arith.constant 8 : i32
      %mul3A_19 = arith.muli %add3A_12, %mul3A_18 : i32
      %add3A_20 = arith.constant 0 : i32
      %add3A_21 = arith.addi %mul3A_19, %add3A_20 : i32
      %broadcast_in_dim3A_22 = vector.broadcast %add3A_21 : i32 to vector<16xi32>
      %gather3A = tpu.vector_load_idx %arg7[%broadcast_in_dim3A_22] : memref<64xf32, #tpu.memory_space<vmem>>[vector<16xi32>], vector<16xf32>,
      %swap3A = arith.constant 0 : index
      %swap3A_23 = tpu.vector_load %arg8[%swap3A] {strides = array<i32>} : memref<1024xi32, #tpu.memory_space<vmem>>, vector<16xi32>,
      tpu.vector_store %arg8[%swap3A], %broadcast_in_dim3A_3 {strides = array<i32>} : memref<1024xi32, #tpu.memory_space<vmem>>, vector<16xi32>,
      %swap3A_24 = arith.constant 16 : index
      %swap3A_25 = tpu.vector_load %arg8[%swap3A_24] {strides = array<i32>} : memref<1024xi32, #tpu.memory_space<vmem>>, vector<16xi32>,
      tpu.vector_store %arg8[%swap3A_24], %broadcast_in_dim3A_3 {strides = array<i32>} : memref<1024xi32, #tpu.memory_space<vmem>>, vector<16xi32>,
      %swap3A_26 = arith.constant 32 : index
      %swap3A_27 = tpu.vector_load %arg8[%swap3A_26] {strides = array<i32>} : memref<1024xi32, #tpu.memory_space<vmem>>, vector<16xi32>,
      tpu.vector_store %arg8[%swap3A_26], %broadcast_in_dim3A_3 {strides = array<i32>} : memref<1024xi32, #tpu.memory_space<vmem>>, vector<16xi32>,
      %swap3A_28 = arith.constant 48 : index
      %swap3A_29 = tpu.vector_load %arg8[%swap3A_28] {strides = array<i32>} : memref<1024xi32, #tpu.memory_space<vmem>>, vector<16xi32>,
      tpu.vector_store %arg8[%swap3A_28], %broadcast_in_dim3A_3 {strides = array<i32>} : memref<1024xi32, #tpu.memory_space<vmem>>, vector<16xi32>,
      %broadcast_in_dim3A_30 = arith.constant 0 : i32
      %broadcast_in_dim3A_31 = vector.broadcast %broadcast_in_dim3A_30 : i32 to vector<16xi32>
      %scan3A_32 = arith.constant 0 : i32
      %scan3A_33 = arith.constant 64 : i32
      %scan3A_34 = arith.addi %scan3A_32, %scan3A_33 : i32
      %scan3A_35 = arith.constant 1 : i32
      %scan3A_36 = scf.for %scan3A_749 = %scan3A_32 to %scan3A_34 step %scan3A_35 iter_args(%scan3A_750 = %broadcast_in_dim3A_31) -> (vector<16xi32>)  : i32 {
        %mul3A_751 = arith.constant 16 : i32
        %mul3A_752 = arith.muli %scan3A_749, %mul3A_751 : i32
        %add3A_753 = arith.constant 0 : i32
        %add3A_754 = arith.addi %add3A_753, %mul3A_752 : i32
        %get3A_755 = arith.index_cast %add3A_754 : i32 to index
        %get3A_756 = tpu.vector_load %arg6[%get3A_755] {strides = array<i32>} : memref<8192xf32, #tpu.memory_space<vmem>>, vector<16xf32>,
        %lt3A_757 = arith.cmpf olt, %get3A_756, %gather3A : vector<16xf32>
        %all_reduce_population_count3A = tpu.all_reduce %lt3A_757 {dim = 0 : i64, kind = #tpu.reduction_kind<sum>} : vector<16xi1> -> vector<16xi32>
        %convert_element_type3A = arith.extui %lt3A_757 : vector<16xi1> to vector<16xi32>
        %broadcast_in_dim3A_758 = arith.constant true
        %broadcast_in_dim3A_759 = vector.broadcast %broadcast_in_dim3A_758 : i1 to vector<16xi1>
        %masked_cumsum3A = tpu.scan <sum>, %convert_element_type3A masked %broadcast_in_dim3A_759 : vector<16xi32>, vector<16xi1> -> vector<16xi32>
        %sub3A = arith.subi %masked_cumsum3A, %convert_element_type3A : vector<16xi32>
        %add3A_760 = arith.addi %sub3A, %scan3A_750 : vector<16xi32>
        %mul3A_761 = arith.constant 16 : i32
        %mul3A_762 = arith.muli %scan3A_749, %mul3A_761 : i32
        %add3A_763 = vector.broadcast %mul3A_762 : i32 to vector<16xi32>
        %add3A_764 = arith.addi %iota3A, %add3A_763 : vector<16xi32>
        tpu.vector_store_idx %arg8[%add3A_760], %add3A_764 masked %lt3A_757 : memref<1024xi32, #tpu.memory_space<vmem>>[vector<16xi32>], vector<16xi32>, vector<16xi1>
        %add3A_765 = arith.addi %scan3A_750, %all_reduce_population_count3A : vector<16xi32>
        scf.yield %add3A_765 : vector<16xi32>
      }
      %scan3A_37 = arith.constant 64 : i32
      %scan3A_38 = arith.constant 0 : i32
      %scan3A_39 = arith.constant 64 : i32
      %scan3A_40 = arith.addi %scan3A_38, %scan3A_39 : i32
      %scan3A_41 = arith.constant 1 : i32
      %scan3A_42 = scf.for %scan3A_749 = %scan3A_38 to %scan3A_40 step %scan3A_41 iter_args(%scan3A_750 = %scan3A_36) -> (vector<16xi32>)  : i32 {
        %mul3A_751 = arith.constant 16 : i32
        %mul3A_752 = arith.muli %scan3A_749, %mul3A_751 : i32
        %add3A_753 = arith.constant 0 : i32
        %add3A_754 = arith.addi %add3A_753, %mul3A_752 : i32
        %get3A_755 = arith.index_cast %add3A_754 : i32 to index
        %get3A_756 = tpu.vector_load %arg6[%get3A_755] {strides = array<i32>} : memref<8192xf32, #tpu.memory_space<vmem>>, vector<16xf32>,
        %eq3A = arith.cmpf oeq, %get3A_756, %gather3A : vector<16xf32>
        %all_reduce_population_count3A = tpu.all_reduce %eq3A {dim = 0 : i64, kind = #tpu.reduction_kind<sum>} : vector<16xi1> -> vector<16xi32>
        %convert_element_type3A = arith.extui %eq3A : vector<16xi1> to vector<16xi32>
        %broadcast_in_dim3A_757 = arith.constant true
        %broadcast_in_dim3A_758 = vector.broadcast %broadcast_in_dim3A_757 : i1 to vector<16xi1>
        %masked_cumsum3A = tpu.scan <sum>, %convert_element_type3A masked %broadcast_in_dim3A_758 : vector<16xi32>, vector<16xi1> -> vector<16xi32>
        %sub3A = arith.subi %masked_cumsum3A, %convert_element_type3A : vector<16xi32>
        %add3A_759 = arith.addi %sub3A, %scan3A_750 : vector<16xi32>
        %mul3A_760 = arith.constant 16 : i32
        %mul3A_761 = arith.muli %scan3A_749, %mul3A_760 : i32
        %add3A_762 = vector.broadcast %mul3A_761 : i32 to vector<16xi32>
        %add3A_763 = arith.addi %iota3A, %add3A_762 : vector<16xi32>
        tpu.vector_store_idx %arg8[%add3A_759], %add3A_763 masked %eq3A : memref<1024xi32, #tpu.memory_space<vmem>>[vector<16xi32>], vector<16xi32>, vector<16xi1>
        %add3A_764 = arith.addi %scan3A_750, %all_reduce_population_count3A : vector<16xi32>
        scf.yield %add3A_764 : vector<16xi32>
      }
      %scan3A_43 = arith.constant 64 : i32
      %min3A = arith.constant 64 : i32
      %min3A_44 = vector.broadcast %min3A : i32 to vector<16xi32>
      %min3A_45 = arith.minsi %scan3A_42, %min3A_44 : vector<16xi32>
      %add3A_46 = arith.constant 0 : i32
      %add3A_47 = vector.broadcast %add3A_46 : i32 to vector<16xi32>
      %add3A_48 = arith.addi %iota3A, %add3A_47 : vector<16xi32>
      %lt3A = arith.cmpi slt, %add3A_48, %min3A_45 : vector<16xi32>
      %jit3A = arith.constant 1.000000e+00 : f32
      %jit3A_49 = arith.constant 0.000000e+00 : f32
      %broadcast_in_dim3A_50 = vector.broadcast %jit3A : f32 to vector<16xf32>
      %broadcast_in_dim3A_51 = vector.broadcast %jit3A_49 : f32 to vector<16xf32>
      %select_n3A = arith.select %lt3A, %broadcast_in_dim3A_50, %broadcast_in_dim3A_51 : vector<16xi1>, vector<16xf32>
      %swap3A_52 = arith.constant 0 : index
      %swap3A_53 = tpu.vector_load %arg10[%swap3A_52] {strides = array<i32>} : memref<512xf32, #tpu.memory_space<vmem>>, vector<16xf32>,
      tpu.vector_store %arg10[%swap3A_52], %select_n3A {strides = array<i32>} : memref<512xf32, #tpu.memory_space<vmem>>, vector<16xf32>,
      %get3A = arith.constant 0 : index
      %get3A_54 = tpu.vector_load %arg8[%get3A] {strides = array<i32>} : memref<1024xi32, #tpu.memory_space<vmem>>, vector<16xi32>,
      %swap3A_55 = arith.constant 0 : index
      %swap3A_56 = tpu.vector_load %arg9[%swap3A_55] {strides = array<i32>} : memref<512xi32, #tpu.memory_space<vmem>>, vector<16xi32>,
      tpu.vector_store %arg9[%swap3A_55], %get3A_54 {strides = array<i32>} : memref<512xi32, #tpu.memory_space<vmem>>, vector<16xi32>,
      %add3A_57 = arith.constant 16 : i32
      %add3A_58 = vector.broadcast %add3A_57 : i32 to vector<16xi32>
      %add3A_59 = arith.addi %iota3A, %add3A_58 : vector<16xi32>
      %lt3A_60 = arith.cmpi slt, %add3A_59, %min3A_45 : vector<16xi32>
      %jit3A_61 = arith.constant 1.000000e+00 : f32
      %jit3A_62 = arith.constant 0.000000e+00 : f32
      %broadcast_in_dim3A_63 = vector.broadcast %jit3A_61 : f32 to vector<16xf32>
      %broadcast_in_dim3A_64 = vector.broadcast %jit3A_62 : f32 to vector<16xf32>
      %select_n3A_65 = arith.select %lt3A_60, %broadcast_in_dim3A_63, %broadcast_in_dim3A_64 : vector<16xi1>, vector<16xf32>
      %swap3A_66 = arith.constant 16 : index
      %swap3A_67 = tpu.vector_load %arg10[%swap3A_66] {strides = array<i32>} : memref<512xf32, #tpu.memory_space<vmem>>, vector<16xf32>,
      tpu.vector_store %arg10[%swap3A_66], %select_n3A_65 {strides = array<i32>} : memref<512xf32, #tpu.memory_space<vmem>>, vector<16xf32>,
      %get3A_68 = arith.constant 16 : index
      %get3A_69 = tpu.vector_load %arg8[%get3A_68] {strides = array<i32>} : memref<1024xi32, #tpu.memory_space<vmem>>, vector<16xi32>,
      %swap3A_70 = arith.constant 16 : index
      %swap3A_71 = tpu.vector_load %arg9[%swap3A_70] {strides = array<i32>} : memref<512xi32, #tpu.memory_space<vmem>>, vector<16xi32>,
      tpu.vector_store %arg9[%swap3A_70], %get3A_69 {strides = array<i32>} : memref<512xi32, #tpu.memory_space<vmem>>, vector<16xi32>,
      %add3A_72 = arith.constant 32 : i32
      %add3A_73 = vector.broadcast %add3A_72 : i32 to vector<16xi32>
      %add3A_74 = arith.addi %iota3A, %add3A_73 : vector<16xi32>
      %lt3A_75 = arith.cmpi slt, %add3A_74, %min3A_45 : vector<16xi32>
      %jit3A_76 = arith.constant 1.000000e+00 : f32
      %jit3A_77 = arith.constant 0.000000e+00 : f32
      %broadcast_in_dim3A_78 = vector.broadcast %jit3A_76 : f32 to vector<16xf32>
      %broadcast_in_dim3A_79 = vector.broadcast %jit3A_77 : f32 to vector<16xf32>
      %select_n3A_80 = arith.select %lt3A_75, %broadcast_in_dim3A_78, %broadcast_in_dim3A_79 : vector<16xi1>, vector<16xf32>
      %swap3A_81 = arith.constant 32 : index
      %swap3A_82 = tpu.vector_load %arg10[%swap3A_81] {strides = array<i32>} : memref<512xf32, #tpu.memory_space<vmem>>, vector<16xf32>,
      tpu.vector_store %arg10[%swap3A_81], %select_n3A_80 {strides = array<i32>} : memref<512xf32, #tpu.memory_space<vmem>>, vector<16xf32>,
      %get3A_83 = arith.constant 32 : index
      %get3A_84 = tpu.vector_load %arg8[%get3A_83] {strides = array<i32>} : memref<1024xi32, #tpu.memory_space<vmem>>, vector<16xi32>,
      %swap3A_85 = arith.constant 32 : index
      %swap3A_86 = tpu.vector_load %arg9[%swap3A_85] {strides = array<i32>} : memref<512xi32, #tpu.memory_space<vmem>>, vector<16xi32>,
      tpu.vector_store %arg9[%swap3A_85], %get3A_84 {strides = array<i32>} : memref<512xi32, #tpu.memory_space<vmem>>, vector<16xi32>,
      %add3A_87 = arith.constant 48 : i32
      %add3A_88 = vector.broadcast %add3A_87 : i32 to vector<16xi32>
      %add3A_89 = arith.addi %iota3A, %add3A_88 : vector<16xi32>
      %lt3A_90 = arith.cmpi slt, %add3A_89, %min3A_45 : vector<16xi32>
      %jit3A_91 = arith.constant 1.000000e+00 : f32
      %jit3A_92 = arith.constant 0.000000e+00 : f32
      %broadcast_in_dim3A_93 = vector.broadcast %jit3A_91 : f32 to vector<16xf32>
      %broadcast_in_dim3A_94 = vector.broadcast %jit3A_92 : f32 to vector<16xf32>
      %select_n3A_95 = arith.select %lt3A_90, %broadcast_in_dim3A_93, %broadcast_in_dim3A_94 : vector<16xi1>, vector<16xf32>
      %swap3A_96 = arith.constant 48 : index
      %swap3A_97 = tpu.vector_load %arg10[%swap3A_96] {strides = array<i32>} : memref<512xf32, #tpu.memory_space<vmem>>, vector<16xf32>,
      tpu.vector_store %arg10[%swap3A_96], %select_n3A_95 {strides = array<i32>} : memref<512xf32, #tpu.memory_space<vmem>>, vector<16xf32>,
      %get3A_98 = arith.constant 48 : index
      %get3A_99 = tpu.vector_load %arg8[%get3A_98] {strides = array<i32>} : memref<1024xi32, #tpu.memory_space<vmem>>, vector<16xi32>,
      %swap3A_100 = arith.constant 48 : index
      %swap3A_101 = tpu.vector_load %arg9[%swap3A_100] {strides = array<i32>} : memref<512xi32, #tpu.memory_space<vmem>>, vector<16xi32>,
      tpu.vector_store %arg9[%swap3A_100], %get3A_99 {strides = array<i32>} : memref<512xi32, #tpu.memory_space<vmem>>, vector<16xi32>,
      %mul3A_102 = arith.constant 8 : i32
      %mul3A_103 = arith.muli %add3A_12, %mul3A_102 : i32
      %add3A_104 = arith.constant 1 : i32
      %add3A_105 = arith.addi %mul3A_103, %add3A_104 : i32
      %broadcast_in_dim3A_106 = vector.broadcast %add3A_105 : i32 to vector<16xi32>
      %gather3A_107 = tpu.vector_load_idx %arg7[%broadcast_in_dim3A_106] : memref<64xf32, #tpu.memory_space<vmem>>[vector<16xi32>], vector<16xf32>,
      %swap3A_108 = arith.constant 0 : index
      %swap3A_109 = tpu.vector_load %arg8[%swap3A_108] {strides = array<i32>} : memref<1024xi32, #tpu.memory_space<vmem>>, vector<16xi32>,
      tpu.vector_store %arg8[%swap3A_108], %broadcast_in_dim3A_3 {strides = array<i32>} : memref<1024xi32, #tpu.memory_space<vmem>>, vector<16xi32>,
      %swap3A_110 = arith.constant 16 : index
      %swap3A_111 = tpu.vector_load %arg8[%swap3A_110] {strides = array<i32>} : memref<1024xi32, #tpu.memory_space<vmem>>, vector<16xi32>,
      tpu.vector_store %arg8[%swap3A_110], %broadcast_in_dim3A_3 {strides = array<i32>} : memref<1024xi32, #tpu.memory_space<vmem>>, vector<16xi32>,
      %swap3A_112 = arith.constant 32 : index
      %swap3A_113 = tpu.vector_load %arg8[%swap3A_112] {strides = array<i32>} : memref<1024xi32, #tpu.memory_space<vmem>>, vector<16xi32>,
      tpu.vector_store %arg8[%swap3A_112], %broadcast_in_dim3A_3 {strides = array<i32>} : memref<1024xi32, #tpu.memory_space<vmem>>, vector<16xi32>,
      %swap3A_114 = arith.constant 48 : index
      %swap3A_115 = tpu.vector_load %arg8[%swap3A_114] {strides = array<i32>} : memref<1024xi32, #tpu.memory_space<vmem>>, vector<16xi32>,
      tpu.vector_store %arg8[%swap3A_114], %broadcast_in_dim3A_3 {strides = array<i32>} : memref<1024xi32, #tpu.memory_space<vmem>>, vector<16xi32>,
      %broadcast_in_dim3A_116 = arith.constant 0 : i32
      %broadcast_in_dim3A_117 = vector.broadcast %broadcast_in_dim3A_116 : i32 to vector<16xi32>
      %scan3A_118 = arith.constant 0 : i32
      %scan3A_119 = arith.constant 64 : i32
      %scan3A_120 = arith.addi %scan3A_118, %scan3A_119 : i32
      %scan3A_121 = arith.constant 1 : i32
      %scan3A_122 = scf.for %scan3A_749 = %scan3A_118 to %scan3A_120 step %scan3A_121 iter_args(%scan3A_750 = %broadcast_in_dim3A_117) -> (vector<16xi32>)  : i32 {
        %mul3A_751 = arith.constant 16 : i32
        %mul3A_752 = arith.muli %scan3A_749, %mul3A_751 : i32
        %add3A_753 = arith.constant 1024 : i32
        %add3A_754 = arith.addi %add3A_753, %mul3A_752 : i32
        %get3A_755 = arith.index_cast %add3A_754 : i32 to index
        %get3A_756 = tpu.vector_load %arg6[%get3A_755] {strides = array<i32>} : memref<8192xf32, #tpu.memory_space<vmem>>, vector<16xf32>,
        %lt3A_757 = arith.cmpf olt, %get3A_756, %gather3A_107 : vector<16xf32>
        %all_reduce_population_count3A = tpu.all_reduce %lt3A_757 {dim = 0 : i64, kind = #tpu.reduction_kind<sum>} : vector<16xi1> -> vector<16xi32>
        %convert_element_type3A = arith.extui %lt3A_757 : vector<16xi1> to vector<16xi32>
        %broadcast_in_dim3A_758 = arith.constant true
        %broadcast_in_dim3A_759 = vector.broadcast %broadcast_in_dim3A_758 : i1 to vector<16xi1>
        %masked_cumsum3A = tpu.scan <sum>, %convert_element_type3A masked %broadcast_in_dim3A_759 : vector<16xi32>, vector<16xi1> -> vector<16xi32>
        %sub3A = arith.subi %masked_cumsum3A, %convert_element_type3A : vector<16xi32>
        %add3A_760 = arith.addi %sub3A, %scan3A_750 : vector<16xi32>
        %mul3A_761 = arith.constant 16 : i32
        %mul3A_762 = arith.muli %scan3A_749, %mul3A_761 : i32
        %add3A_763 = vector.broadcast %mul3A_762 : i32 to vector<16xi32>
        %add3A_764 = arith.addi %iota3A, %add3A_763 : vector<16xi32>
        tpu.vector_store_idx %arg8[%add3A_760], %add3A_764 masked %lt3A_757 : memref<1024xi32, #tpu.memory_space<vmem>>[vector<16xi32>], vector<16xi32>, vector<16xi1>
        %add3A_765 = arith.addi %scan3A_750, %all_reduce_population_count3A : vector<16xi32>
        scf.yield %add3A_765 : vector<16xi32>
      }
      %scan3A_123 = arith.constant 64 : i32
      %scan3A_124 = arith.constant 0 : i32
      %scan3A_125 = arith.constant 64 : i32
      %scan3A_126 = arith.addi %scan3A_124, %scan3A_125 : i32
      %scan3A_127 = arith.constant 1 : i32
      %scan3A_128 = scf.for %scan3A_749 = %scan3A_124 to %scan3A_126 step %scan3A_127 iter_args(%scan3A_750 = %scan3A_122) -> (vector<16xi32>)  : i32 {
        %mul3A_751 = arith.constant 16 : i32
        %mul3A_752 = arith.muli %scan3A_749, %mul3A_751 : i32
        %add3A_753 = arith.constant 1024 : i32
        %add3A_754 = arith.addi %add3A_753, %mul3A_752 : i32
        %get3A_755 = arith.index_cast %add3A_754 : i32 to index
        %get3A_756 = tpu.vector_load %arg6[%get3A_755] {strides = array<i32>} : memref<8192xf32, #tpu.memory_space<vmem>>, vector<16xf32>,
        %eq3A = arith.cmpf oeq, %get3A_756, %gather3A_107 : vector<16xf32>
        %all_reduce_population_count3A = tpu.all_reduce %eq3A {dim = 0 : i64, kind = #tpu.reduction_kind<sum>} : vector<16xi1> -> vector<16xi32>
        %convert_element_type3A = arith.extui %eq3A : vector<16xi1> to vector<16xi32>
        %broadcast_in_dim3A_757 = arith.constant true
        %broadcast_in_dim3A_758 = vector.broadcast %broadcast_in_dim3A_757 : i1 to vector<16xi1>
        %masked_cumsum3A = tpu.scan <sum>, %convert_element_type3A masked %broadcast_in_dim3A_758 : vector<16xi32>, vector<16xi1> -> vector<16xi32>
        %sub3A = arith.subi %masked_cumsum3A, %convert_element_type3A : vector<16xi32>
        %add3A_759 = arith.addi %sub3A, %scan3A_750 : vector<16xi32>
        %mul3A_760 = arith.constant 16 : i32
        %mul3A_761 = arith.muli %scan3A_749, %mul3A_760 : i32
        %add3A_762 = vector.broadcast %mul3A_761 : i32 to vector<16xi32>
        %add3A_763 = arith.addi %iota3A, %add3A_762 : vector<16xi32>
        tpu.vector_store_idx %arg8[%add3A_759], %add3A_763 masked %eq3A : memref<1024xi32, #tpu.memory_space<vmem>>[vector<16xi32>], vector<16xi32>, vector<16xi1>
        %add3A_764 = arith.addi %scan3A_750, %all_reduce_population_count3A : vector<16xi32>
        scf.yield %add3A_764 : vector<16xi32>
      }
      %scan3A_129 = arith.constant 64 : i32
      %min3A_130 = arith.constant 64 : i32
      %min3A_131 = vector.broadcast %min3A_130 : i32 to vector<16xi32>
      %min3A_132 = arith.minsi %scan3A_128, %min3A_131 : vector<16xi32>
      %add3A_133 = arith.constant 0 : i32
      %add3A_134 = vector.broadcast %add3A_133 : i32 to vector<16xi32>
      %add3A_135 = arith.addi %iota3A, %add3A_134 : vector<16xi32>
      %lt3A_136 = arith.cmpi slt, %add3A_135, %min3A_132 : vector<16xi32>
      %jit3A_137 = arith.constant 1.000000e+00 : f32
      %jit3A_138 = arith.constant 0.000000e+00 : f32
      %broadcast_in_dim3A_139 = vector.broadcast %jit3A_137 : f32 to vector<16xf32>
      %broadcast_in_dim3A_140 = vector.broadcast %jit3A_138 : f32 to vector<16xf32>
      %select_n3A_141 = arith.select %lt3A_136, %broadcast_in_dim3A_139, %broadcast_in_dim3A_140 : vector<16xi1>, vector<16xf32>
      %swap3A_142 = arith.constant 64 : index
      %swap3A_143 = tpu.vector_load %arg10[%swap3A_142] {strides = array<i32>} : memref<512xf32, #tpu.memory_space<vmem>>, vector<16xf32>,
      tpu.vector_store %arg10[%swap3A_142], %select_n3A_141 {strides = array<i32>} : memref<512xf32, #tpu.memory_space<vmem>>, vector<16xf32>,
      %get3A_144 = arith.constant 0 : index
      %get3A_145 = tpu.vector_load %arg8[%get3A_144] {strides = array<i32>} : memref<1024xi32, #tpu.memory_space<vmem>>, vector<16xi32>,
      %swap3A_146 = arith.constant 64 : index
      %swap3A_147 = tpu.vector_load %arg9[%swap3A_146] {strides = array<i32>} : memref<512xi32, #tpu.memory_space<vmem>>, vector<16xi32>,
      tpu.vector_store %arg9[%swap3A_146], %get3A_145 {strides = array<i32>} : memref<512xi32, #tpu.memory_space<vmem>>, vector<16xi32>,
      %add3A_148 = arith.constant 16 : i32
      %add3A_149 = vector.broadcast %add3A_148 : i32 to vector<16xi32>
      %add3A_150 = arith.addi %iota3A, %add3A_149 : vector<16xi32>
      %lt3A_151 = arith.cmpi slt, %add3A_150, %min3A_132 : vector<16xi32>
      %jit3A_152 = arith.constant 1.000000e+00 : f32
      %jit3A_153 = arith.constant 0.000000e+00 : f32
      %broadcast_in_dim3A_154 = vector.broadcast %jit3A_152 : f32 to vector<16xf32>
      %broadcast_in_dim3A_155 = vector.broadcast %jit3A_153 : f32 to vector<16xf32>
      %select_n3A_156 = arith.select %lt3A_151, %broadcast_in_dim3A_154, %broadcast_in_dim3A_155 : vector<16xi1>, vector<16xf32>
      %swap3A_157 = arith.constant 80 : index
      %swap3A_158 = tpu.vector_load %arg10[%swap3A_157] {strides = array<i32>} : memref<512xf32, #tpu.memory_space<vmem>>, vector<16xf32>,
      tpu.vector_store %arg10[%swap3A_157], %select_n3A_156 {strides = array<i32>} : memref<512xf32, #tpu.memory_space<vmem>>, vector<16xf32>,
      %get3A_159 = arith.constant 16 : index
      %get3A_160 = tpu.vector_load %arg8[%get3A_159] {strides = array<i32>} : memref<1024xi32, #tpu.memory_space<vmem>>, vector<16xi32>,
      %swap3A_161 = arith.constant 80 : index
      %swap3A_162 = tpu.vector_load %arg9[%swap3A_161] {strides = array<i32>} : memref<512xi32, #tpu.memory_space<vmem>>, vector<16xi32>,
      tpu.vector_store %arg9[%swap3A_161], %get3A_160 {strides = array<i32>} : memref<512xi32, #tpu.memory_space<vmem>>, vector<16xi32>,
      %add3A_163 = arith.constant 32 : i32
      %add3A_164 = vector.broadcast %add3A_163 : i32 to vector<16xi32>
      %add3A_165 = arith.addi %iota3A, %add3A_164 : vector<16xi32>
      %lt3A_166 = arith.cmpi slt, %add3A_165, %min3A_132 : vector<16xi32>
      %jit3A_167 = arith.constant 1.000000e+00 : f32
      %jit3A_168 = arith.constant 0.000000e+00 : f32
      %broadcast_in_dim3A_169 = vector.broadcast %jit3A_167 : f32 to vector<16xf32>
      %broadcast_in_dim3A_170 = vector.broadcast %jit3A_168 : f32 to vector<16xf32>
      %select_n3A_171 = arith.select %lt3A_166, %broadcast_in_dim3A_169, %broadcast_in_dim3A_170 : vector<16xi1>, vector<16xf32>
      %swap3A_172 = arith.constant 96 : index
      %swap3A_173 = tpu.vector_load %arg10[%swap3A_172] {strides = array<i32>} : memref<512xf32, #tpu.memory_space<vmem>>, vector<16xf32>,
      tpu.vector_store %arg10[%swap3A_172], %select_n3A_171 {strides = array<i32>} : memref<512xf32, #tpu.memory_space<vmem>>, vector<16xf32>,
      %get3A_174 = arith.constant 32 : index
      %get3A_175 = tpu.vector_load %arg8[%get3A_174] {strides = array<i32>} : memref<1024xi32, #tpu.memory_space<vmem>>, vector<16xi32>,
      %swap3A_176 = arith.constant 96 : index
      %swap3A_177 = tpu.vector_load %arg9[%swap3A_176] {strides = array<i32>} : memref<512xi32, #tpu.memory_space<vmem>>, vector<16xi32>,
      tpu.vector_store %arg9[%swap3A_176], %get3A_175 {strides = array<i32>} : memref<512xi32, #tpu.memory_space<vmem>>, vector<16xi32>,
      %add3A_178 = arith.constant 48 : i32
      %add3A_179 = vector.broadcast %add3A_178 : i32 to vector<16xi32>
      %add3A_180 = arith.addi %iota3A, %add3A_179 : vector<16xi32>
      %lt3A_181 = arith.cmpi slt, %add3A_180, %min3A_132 : vector<16xi32>
      %jit3A_182 = arith.constant 1.000000e+00 : f32
      %jit3A_183 = arith.constant 0.000000e+00 : f32
      %broadcast_in_dim3A_184 = vector.broadcast %jit3A_182 : f32 to vector<16xf32>
      %broadcast_in_dim3A_185 = vector.broadcast %jit3A_183 : f32 to vector<16xf32>
      %select_n3A_186 = arith.select %lt3A_181, %broadcast_in_dim3A_184, %broadcast_in_dim3A_185 : vector<16xi1>, vector<16xf32>
      %swap3A_187 = arith.constant 112 : index
      %swap3A_188 = tpu.vector_load %arg10[%swap3A_187] {strides = array<i32>} : memref<512xf32, #tpu.memory_space<vmem>>, vector<16xf32>,
      tpu.vector_store %arg10[%swap3A_187], %select_n3A_186 {strides = array<i32>} : memref<512xf32, #tpu.memory_space<vmem>>, vector<16xf32>,
      %get3A_189 = arith.constant 48 : index
      %get3A_190 = tpu.vector_load %arg8[%get3A_189] {strides = array<i32>} : memref<1024xi32, #tpu.memory_space<vmem>>, vector<16xi32>,
      %swap3A_191 = arith.constant 112 : index
      %swap3A_192 = tpu.vector_load %arg9[%swap3A_191] {strides = array<i32>} : memref<512xi32, #tpu.memory_space<vmem>>, vector<16xi32>,
      tpu.vector_store %arg9[%swap3A_191], %get3A_190 {strides = array<i32>} : memref<512xi32, #tpu.memory_space<vmem>>, vector<16xi32>,
      %mul3A_193 = arith.constant 8 : i32
      %mul3A_194 = arith.muli %add3A_12, %mul3A_193 : i32
      %add3A_195 = arith.constant 2 : i32
      %add3A_196 = arith.addi %mul3A_194, %add3A_195 : i32
      %broadcast_in_dim3A_197 = vector.broadcast %add3A_196 : i32 to vector<16xi32>
      %gather3A_198 = tpu.vector_load_idx %arg7[%broadcast_in_dim3A_197] : memref<64xf32, #tpu.memory_space<vmem>>[vector<16xi32>], vector<16xf32>,
      %swap3A_199 = arith.constant 0 : index
      %swap3A_200 = tpu.vector_load %arg8[%swap3A_199] {strides = array<i32>} : memref<1024xi32, #tpu.memory_space<vmem>>, vector<16xi32>,
      tpu.vector_store %arg8[%swap3A_199], %broadcast_in_dim3A_3 {strides = array<i32>} : memref<1024xi32, #tpu.memory_space<vmem>>, vector<16xi32>,
      %swap3A_201 = arith.constant 16 : index
      %swap3A_202 = tpu.vector_load %arg8[%swap3A_201] {strides = array<i32>} : memref<1024xi32, #tpu.memory_space<vmem>>, vector<16xi32>,
      tpu.vector_store %arg8[%swap3A_201], %broadcast_in_dim3A_3 {strides = array<i32>} : memref<1024xi32, #tpu.memory_space<vmem>>, vector<16xi32>,
      %swap3A_203 = arith.constant 32 : index
      %swap3A_204 = tpu.vector_load %arg8[%swap3A_203] {strides = array<i32>} : memref<1024xi32, #tpu.memory_space<vmem>>, vector<16xi32>,
      tpu.vector_store %arg8[%swap3A_203], %broadcast_in_dim3A_3 {strides = array<i32>} : memref<1024xi32, #tpu.memory_space<vmem>>, vector<16xi32>,
      %swap3A_205 = arith.constant 48 : index
      %swap3A_206 = tpu.vector_load %arg8[%swap3A_205] {strides = array<i32>} : memref<1024xi32, #tpu.memory_space<vmem>>, vector<16xi32>,
      tpu.vector_store %arg8[%swap3A_205], %broadcast_in_dim3A_3 {strides = array<i32>} : memref<1024xi32, #tpu.memory_space<vmem>>, vector<16xi32>,
      %broadcast_in_dim3A_207 = arith.constant 0 : i32
      %broadcast_in_dim3A_208 = vector.broadcast %broadcast_in_dim3A_207 : i32 to vector<16xi32>
      %scan3A_209 = arith.constant 0 : i32
      %scan3A_210 = arith.constant 64 : i32
      %scan3A_211 = arith.addi %scan3A_209, %scan3A_210 : i32
      %scan3A_212 = arith.constant 1 : i32
      %scan3A_213 = scf.for %scan3A_749 = %scan3A_209 to %scan3A_211 step %scan3A_212 iter_args(%scan3A_750 = %broadcast_in_dim3A_208) -> (vector<16xi32>)  : i32 {
        %mul3A_751 = arith.constant 16 : i32
        %mul3A_752 = arith.muli %scan3A_749, %mul3A_751 : i32
        %add3A_753 = arith.constant 2048 : i32
        %add3A_754 = arith.addi %add3A_753, %mul3A_752 : i32
        %get3A_755 = arith.index_cast %add3A_754 : i32 to index
        %get3A_756 = tpu.vector_load %arg6[%get3A_755] {strides = array<i32>} : memref<8192xf32, #tpu.memory_space<vmem>>, vector<16xf32>,
        %lt3A_757 = arith.cmpf olt, %get3A_756, %gather3A_198 : vector<16xf32>
        %all_reduce_population_count3A = tpu.all_reduce %lt3A_757 {dim = 0 : i64, kind = #tpu.reduction_kind<sum>} : vector<16xi1> -> vector<16xi32>
        %convert_element_type3A = arith.extui %lt3A_757 : vector<16xi1> to vector<16xi32>
        %broadcast_in_dim3A_758 = arith.constant true
        %broadcast_in_dim3A_759 = vector.broadcast %broadcast_in_dim3A_758 : i1 to vector<16xi1>
        %masked_cumsum3A = tpu.scan <sum>, %convert_element_type3A masked %broadcast_in_dim3A_759 : vector<16xi32>, vector<16xi1> -> vector<16xi32>
        %sub3A = arith.subi %masked_cumsum3A, %convert_element_type3A : vector<16xi32>
        %add3A_760 = arith.addi %sub3A, %scan3A_750 : vector<16xi32>
        %mul3A_761 = arith.constant 16 : i32
        %mul3A_762 = arith.muli %scan3A_749, %mul3A_761 : i32
        %add3A_763 = vector.broadcast %mul3A_762 : i32 to vector<16xi32>
        %add3A_764 = arith.addi %iota3A, %add3A_763 : vector<16xi32>
        tpu.vector_store_idx %arg8[%add3A_760], %add3A_764 masked %lt3A_757 : memref<1024xi32, #tpu.memory_space<vmem>>[vector<16xi32>], vector<16xi32>, vector<16xi1>
        %add3A_765 = arith.addi %scan3A_750, %all_reduce_population_count3A : vector<16xi32>
        scf.yield %add3A_765 : vector<16xi32>
      }
      %scan3A_214 = arith.constant 64 : i32
      %scan3A_215 = arith.constant 0 : i32
      %scan3A_216 = arith.constant 64 : i32
      %scan3A_217 = arith.addi %scan3A_215, %scan3A_216 : i32
      %scan3A_218 = arith.constant 1 : i32
      %scan3A_219 = scf.for %scan3A_749 = %scan3A_215 to %scan3A_217 step %scan3A_218 iter_args(%scan3A_750 = %scan3A_213) -> (vector<16xi32>)  : i32 {
        %mul3A_751 = arith.constant 16 : i32
        %mul3A_752 = arith.muli %scan3A_749, %mul3A_751 : i32
        %add3A_753 = arith.constant 2048 : i32
        %add3A_754 = arith.addi %add3A_753, %mul3A_752 : i32
        %get3A_755 = arith.index_cast %add3A_754 : i32 to index
        %get3A_756 = tpu.vector_load %arg6[%get3A_755] {strides = array<i32>} : memref<8192xf32, #tpu.memory_space<vmem>>, vector<16xf32>,
        %eq3A = arith.cmpf oeq, %get3A_756, %gather3A_198 : vector<16xf32>
        %all_reduce_population_count3A = tpu.all_reduce %eq3A {dim = 0 : i64, kind = #tpu.reduction_kind<sum>} : vector<16xi1> -> vector<16xi32>
        %convert_element_type3A = arith.extui %eq3A : vector<16xi1> to vector<16xi32>
        %broadcast_in_dim3A_757 = arith.constant true
        %broadcast_in_dim3A_758 = vector.broadcast %broadcast_in_dim3A_757 : i1 to vector<16xi1>
        %masked_cumsum3A = tpu.scan <sum>, %convert_element_type3A masked %broadcast_in_dim3A_758 : vector<16xi32>, vector<16xi1> -> vector<16xi32>
        %sub3A = arith.subi %masked_cumsum3A, %convert_element_type3A : vector<16xi32>
        %add3A_759 = arith.addi %sub3A, %scan3A_750 : vector<16xi32>
        %mul3A_760 = arith.constant 16 : i32
        %mul3A_761 = arith.muli %scan3A_749, %mul3A_760 : i32
        %add3A_762 = vector.broadcast %mul3A_761 : i32 to vector<16xi32>
        %add3A_763 = arith.addi %iota3A, %add3A_762 : vector<16xi32>
        tpu.vector_store_idx %arg8[%add3A_759], %add3A_763 masked %eq3A : memref<1024xi32, #tpu.memory_space<vmem>>[vector<16xi32>], vector<16xi32>, vector<16xi1>
        %add3A_764 = arith.addi %scan3A_750, %all_reduce_population_count3A : vector<16xi32>
        scf.yield %add3A_764 : vector<16xi32>
      }
      %scan3A_220 = arith.constant 64 : i32
      %min3A_221 = arith.constant 64 : i32
      %min3A_222 = vector.broadcast %min3A_221 : i32 to vector<16xi32>
      %min3A_223 = arith.minsi %scan3A_219, %min3A_222 : vector<16xi32>
      %add3A_224 = arith.constant 0 : i32
      %add3A_225 = vector.broadcast %add3A_224 : i32 to vector<16xi32>
      %add3A_226 = arith.addi %iota3A, %add3A_225 : vector<16xi32>
      %lt3A_227 = arith.cmpi slt, %add3A_226, %min3A_223 : vector<16xi32>
      %jit3A_228 = arith.constant 1.000000e+00 : f32
      %jit3A_229 = arith.constant 0.000000e+00 : f32
      %broadcast_in_dim3A_230 = vector.broadcast %jit3A_228 : f32 to vector<16xf32>
      %broadcast_in_dim3A_231 = vector.broadcast %jit3A_229 : f32 to vector<16xf32>
      %select_n3A_232 = arith.select %lt3A_227, %broadcast_in_dim3A_230, %broadcast_in_dim3A_231 : vector<16xi1>, vector<16xf32>
      %swap3A_233 = arith.constant 128 : index
      %swap3A_234 = tpu.vector_load %arg10[%swap3A_233] {strides = array<i32>} : memref<512xf32, #tpu.memory_space<vmem>>, vector<16xf32>,
      tpu.vector_store %arg10[%swap3A_233], %select_n3A_232 {strides = array<i32>} : memref<512xf32, #tpu.memory_space<vmem>>, vector<16xf32>,
      %get3A_235 = arith.constant 0 : index
      %get3A_236 = tpu.vector_load %arg8[%get3A_235] {strides = array<i32>} : memref<1024xi32, #tpu.memory_space<vmem>>, vector<16xi32>,
      %swap3A_237 = arith.constant 128 : index
      %swap3A_238 = tpu.vector_load %arg9[%swap3A_237] {strides = array<i32>} : memref<512xi32, #tpu.memory_space<vmem>>, vector<16xi32>,
      tpu.vector_store %arg9[%swap3A_237], %get3A_236 {strides = array<i32>} : memref<512xi32, #tpu.memory_space<vmem>>, vector<16xi32>,
      %add3A_239 = arith.constant 16 : i32
      %add3A_240 = vector.broadcast %add3A_239 : i32 to vector<16xi32>
      %add3A_241 = arith.addi %iota3A, %add3A_240 : vector<16xi32>
      %lt3A_242 = arith.cmpi slt, %add3A_241, %min3A_223 : vector<16xi32>
      %jit3A_243 = arith.constant 1.000000e+00 : f32
      %jit3A_244 = arith.constant 0.000000e+00 : f32
      %broadcast_in_dim3A_245 = vector.broadcast %jit3A_243 : f32 to vector<16xf32>
      %broadcast_in_dim3A_246 = vector.broadcast %jit3A_244 : f32 to vector<16xf32>
      %select_n3A_247 = arith.select %lt3A_242, %broadcast_in_dim3A_245, %broadcast_in_dim3A_246 : vector<16xi1>, vector<16xf32>
      %swap3A_248 = arith.constant 144 : index
      %swap3A_249 = tpu.vector_load %arg10[%swap3A_248] {strides = array<i32>} : memref<512xf32, #tpu.memory_space<vmem>>, vector<16xf32>,
      tpu.vector_store %arg10[%swap3A_248], %select_n3A_247 {strides = array<i32>} : memref<512xf32, #tpu.memory_space<vmem>>, vector<16xf32>,
      %get3A_250 = arith.constant 16 : index
      %get3A_251 = tpu.vector_load %arg8[%get3A_250] {strides = array<i32>} : memref<1024xi32, #tpu.memory_space<vmem>>, vector<16xi32>,
      %swap3A_252 = arith.constant 144 : index
      %swap3A_253 = tpu.vector_load %arg9[%swap3A_252] {strides = array<i32>} : memref<512xi32, #tpu.memory_space<vmem>>, vector<16xi32>,
      tpu.vector_store %arg9[%swap3A_252], %get3A_251 {strides = array<i32>} : memref<512xi32, #tpu.memory_space<vmem>>, vector<16xi32>,
      %add3A_254 = arith.constant 32 : i32
      %add3A_255 = vector.broadcast %add3A_254 : i32 to vector<16xi32>
      %add3A_256 = arith.addi %iota3A, %add3A_255 : vector<16xi32>
      %lt3A_257 = arith.cmpi slt, %add3A_256, %min3A_223 : vector<16xi32>
      %jit3A_258 = arith.constant 1.000000e+00 : f32
      %jit3A_259 = arith.constant 0.000000e+00 : f32
      %broadcast_in_dim3A_260 = vector.broadcast %jit3A_258 : f32 to vector<16xf32>
      %broadcast_in_dim3A_261 = vector.broadcast %jit3A_259 : f32 to vector<16xf32>
      %select_n3A_262 = arith.select %lt3A_257, %broadcast_in_dim3A_260, %broadcast_in_dim3A_261 : vector<16xi1>, vector<16xf32>
      %swap3A_263 = arith.constant 160 : index
      %swap3A_264 = tpu.vector_load %arg10[%swap3A_263] {strides = array<i32>} : memref<512xf32, #tpu.memory_space<vmem>>, vector<16xf32>,
      tpu.vector_store %arg10[%swap3A_263], %select_n3A_262 {strides = array<i32>} : memref<512xf32, #tpu.memory_space<vmem>>, vector<16xf32>,
      %get3A_265 = arith.constant 32 : index
      %get3A_266 = tpu.vector_load %arg8[%get3A_265] {strides = array<i32>} : memref<1024xi32, #tpu.memory_space<vmem>>, vector<16xi32>,
      %swap3A_267 = arith.constant 160 : index
      %swap3A_268 = tpu.vector_load %arg9[%swap3A_267] {strides = array<i32>} : memref<512xi32, #tpu.memory_space<vmem>>, vector<16xi32>,
      tpu.vector_store %arg9[%swap3A_267], %get3A_266 {strides = array<i32>} : memref<512xi32, #tpu.memory_space<vmem>>, vector<16xi32>,
      %add3A_269 = arith.constant 48 : i32
      %add3A_270 = vector.broadcast %add3A_269 : i32 to vector<16xi32>
      %add3A_271 = arith.addi %iota3A, %add3A_270 : vector<16xi32>
      %lt3A_272 = arith.cmpi slt, %add3A_271, %min3A_223 : vector<16xi32>
      %jit3A_273 = arith.constant 1.000000e+00 : f32
      %jit3A_274 = arith.constant 0.000000e+00 : f32
      %broadcast_in_dim3A_275 = vector.broadcast %jit3A_273 : f32 to vector<16xf32>
      %broadcast_in_dim3A_276 = vector.broadcast %jit3A_274 : f32 to vector<16xf32>
      %select_n3A_277 = arith.select %lt3A_272, %broadcast_in_dim3A_275, %broadcast_in_dim3A_276 : vector<16xi1>, vector<16xf32>
      %swap3A_278 = arith.constant 176 : index
      %swap3A_279 = tpu.vector_load %arg10[%swap3A_278] {strides = array<i32>} : memref<512xf32, #tpu.memory_space<vmem>>, vector<16xf32>,
      tpu.vector_store %arg10[%swap3A_278], %select_n3A_277 {strides = array<i32>} : memref<512xf32, #tpu.memory_space<vmem>>, vector<16xf32>,
      %get3A_280 = arith.constant 48 : index
      %get3A_281 = tpu.vector_load %arg8[%get3A_280] {strides = array<i32>} : memref<1024xi32, #tpu.memory_space<vmem>>, vector<16xi32>,
      %swap3A_282 = arith.constant 176 : index
      %swap3A_283 = tpu.vector_load %arg9[%swap3A_282] {strides = array<i32>} : memref<512xi32, #tpu.memory_space<vmem>>, vector<16xi32>,
      tpu.vector_store %arg9[%swap3A_282], %get3A_281 {strides = array<i32>} : memref<512xi32, #tpu.memory_space<vmem>>, vector<16xi32>,
      %mul3A_284 = arith.constant 8 : i32
      %mul3A_285 = arith.muli %add3A_12, %mul3A_284 : i32
      %add3A_286 = arith.constant 3 : i32
      %add3A_287 = arith.addi %mul3A_285, %add3A_286 : i32
      %broadcast_in_dim3A_288 = vector.broadcast %add3A_287 : i32 to vector<16xi32>
      %gather3A_289 = tpu.vector_load_idx %arg7[%broadcast_in_dim3A_288] : memref<64xf32, #tpu.memory_space<vmem>>[vector<16xi32>], vector<16xf32>,
      %swap3A_290 = arith.constant 0 : index
      %swap3A_291 = tpu.vector_load %arg8[%swap3A_290] {strides = array<i32>} : memref<1024xi32, #tpu.memory_space<vmem>>, vector<16xi32>,
      tpu.vector_store %arg8[%swap3A_290], %broadcast_in_dim3A_3 {strides = array<i32>} : memref<1024xi32, #tpu.memory_space<vmem>>, vector<16xi32>,
      %swap3A_292 = arith.constant 16 : index
      %swap3A_293 = tpu.vector_load %arg8[%swap3A_292] {strides = array<i32>} : memref<1024xi32, #tpu.memory_space<vmem>>, vector<16xi32>,
      tpu.vector_store %arg8[%swap3A_292], %broadcast_in_dim3A_3 {strides = array<i32>} : memref<1024xi32, #tpu.memory_space<vmem>>, vector<16xi32>,
      %swap3A_294 = arith.constant 32 : index
      %swap3A_295 = tpu.vector_load %arg8[%swap3A_294] {strides = array<i32>} : memref<1024xi32, #tpu.memory_space<vmem>>, vector<16xi32>,
      tpu.vector_store %arg8[%swap3A_294], %broadcast_in_dim3A_3 {strides = array<i32>} : memref<1024xi32, #tpu.memory_space<vmem>>, vector<16xi32>,
      %swap3A_296 = arith.constant 48 : index
      %swap3A_297 = tpu.vector_load %arg8[%swap3A_296] {strides = array<i32>} : memref<1024xi32, #tpu.memory_space<vmem>>, vector<16xi32>,
      tpu.vector_store %arg8[%swap3A_296], %broadcast_in_dim3A_3 {strides = array<i32>} : memref<1024xi32, #tpu.memory_space<vmem>>, vector<16xi32>,
      %broadcast_in_dim3A_298 = arith.constant 0 : i32
      %broadcast_in_dim3A_299 = vector.broadcast %broadcast_in_dim3A_298 : i32 to vector<16xi32>
      %scan3A_300 = arith.constant 0 : i32
      %scan3A_301 = arith.constant 64 : i32
      %scan3A_302 = arith.addi %scan3A_300, %scan3A_301 : i32
      %scan3A_303 = arith.constant 1 : i32
      %scan3A_304 = scf.for %scan3A_749 = %scan3A_300 to %scan3A_302 step %scan3A_303 iter_args(%scan3A_750 = %broadcast_in_dim3A_299) -> (vector<16xi32>)  : i32 {
        %mul3A_751 = arith.constant 16 : i32
        %mul3A_752 = arith.muli %scan3A_749, %mul3A_751 : i32
        %add3A_753 = arith.constant 3072 : i32
        %add3A_754 = arith.addi %add3A_753, %mul3A_752 : i32
        %get3A_755 = arith.index_cast %add3A_754 : i32 to index
        %get3A_756 = tpu.vector_load %arg6[%get3A_755] {strides = array<i32>} : memref<8192xf32, #tpu.memory_space<vmem>>, vector<16xf32>,
        %lt3A_757 = arith.cmpf olt, %get3A_756, %gather3A_289 : vector<16xf32>
        %all_reduce_population_count3A = tpu.all_reduce %lt3A_757 {dim = 0 : i64, kind = #tpu.reduction_kind<sum>} : vector<16xi1> -> vector<16xi32>
        %convert_element_type3A = arith.extui %lt3A_757 : vector<16xi1> to vector<16xi32>
        %broadcast_in_dim3A_758 = arith.constant true
        %broadcast_in_dim3A_759 = vector.broadcast %broadcast_in_dim3A_758 : i1 to vector<16xi1>
        %masked_cumsum3A = tpu.scan <sum>, %convert_element_type3A masked %broadcast_in_dim3A_759 : vector<16xi32>, vector<16xi1> -> vector<16xi32>
        %sub3A = arith.subi %masked_cumsum3A, %convert_element_type3A : vector<16xi32>
        %add3A_760 = arith.addi %sub3A, %scan3A_750 : vector<16xi32>
        %mul3A_761 = arith.constant 16 : i32
        %mul3A_762 = arith.muli %scan3A_749, %mul3A_761 : i32
        %add3A_763 = vector.broadcast %mul3A_762 : i32 to vector<16xi32>
        %add3A_764 = arith.addi %iota3A, %add3A_763 : vector<16xi32>
        tpu.vector_store_idx %arg8[%add3A_760], %add3A_764 masked %lt3A_757 : memref<1024xi32, #tpu.memory_space<vmem>>[vector<16xi32>], vector<16xi32>, vector<16xi1>
        %add3A_765 = arith.addi %scan3A_750, %all_reduce_population_count3A : vector<16xi32>
        scf.yield %add3A_765 : vector<16xi32>
      }
      %scan3A_305 = arith.constant 64 : i32
      %scan3A_306 = arith.constant 0 : i32
      %scan3A_307 = arith.constant 64 : i32
      %scan3A_308 = arith.addi %scan3A_306, %scan3A_307 : i32
      %scan3A_309 = arith.constant 1 : i32
      %scan3A_310 = scf.for %scan3A_749 = %scan3A_306 to %scan3A_308 step %scan3A_309 iter_args(%scan3A_750 = %scan3A_304) -> (vector<16xi32>)  : i32 {
        %mul3A_751 = arith.constant 16 : i32
        %mul3A_752 = arith.muli %scan3A_749, %mul3A_751 : i32
        %add3A_753 = arith.constant 3072 : i32
        %add3A_754 = arith.addi %add3A_753, %mul3A_752 : i32
        %get3A_755 = arith.index_cast %add3A_754 : i32 to index
        %get3A_756 = tpu.vector_load %arg6[%get3A_755] {strides = array<i32>} : memref<8192xf32, #tpu.memory_space<vmem>>, vector<16xf32>,
        %eq3A = arith.cmpf oeq, %get3A_756, %gather3A_289 : vector<16xf32>
        %all_reduce_population_count3A = tpu.all_reduce %eq3A {dim = 0 : i64, kind = #tpu.reduction_kind<sum>} : vector<16xi1> -> vector<16xi32>
        %convert_element_type3A = arith.extui %eq3A : vector<16xi1> to vector<16xi32>
        %broadcast_in_dim3A_757 = arith.constant true
        %broadcast_in_dim3A_758 = vector.broadcast %broadcast_in_dim3A_757 : i1 to vector<16xi1>
        %masked_cumsum3A = tpu.scan <sum>, %convert_element_type3A masked %broadcast_in_dim3A_758 : vector<16xi32>, vector<16xi1> -> vector<16xi32>
        %sub3A = arith.subi %masked_cumsum3A, %convert_element_type3A : vector<16xi32>
        %add3A_759 = arith.addi %sub3A, %scan3A_750 : vector<16xi32>
        %mul3A_760 = arith.constant 16 : i32
        %mul3A_761 = arith.muli %scan3A_749, %mul3A_760 : i32
        %add3A_762 = vector.broadcast %mul3A_761 : i32 to vector<16xi32>
        %add3A_763 = arith.addi %iota3A, %add3A_762 : vector<16xi32>
        tpu.vector_store_idx %arg8[%add3A_759], %add3A_763 masked %eq3A : memref<1024xi32, #tpu.memory_space<vmem>>[vector<16xi32>], vector<16xi32>, vector<16xi1>
        %add3A_764 = arith.addi %scan3A_750, %all_reduce_population_count3A : vector<16xi32>
        scf.yield %add3A_764 : vector<16xi32>
      }
      %scan3A_311 = arith.constant 64 : i32
      %min3A_312 = arith.constant 64 : i32
      %min3A_313 = vector.broadcast %min3A_312 : i32 to vector<16xi32>
      %min3A_314 = arith.minsi %scan3A_310, %min3A_313 : vector<16xi32>
      %add3A_315 = arith.constant 0 : i32
      %add3A_316 = vector.broadcast %add3A_315 : i32 to vector<16xi32>
      %add3A_317 = arith.addi %iota3A, %add3A_316 : vector<16xi32>
      %lt3A_318 = arith.cmpi slt, %add3A_317, %min3A_314 : vector<16xi32>
      %jit3A_319 = arith.constant 1.000000e+00 : f32
      %jit3A_320 = arith.constant 0.000000e+00 : f32
      %broadcast_in_dim3A_321 = vector.broadcast %jit3A_319 : f32 to vector<16xf32>
      %broadcast_in_dim3A_322 = vector.broadcast %jit3A_320 : f32 to vector<16xf32>
      %select_n3A_323 = arith.select %lt3A_318, %broadcast_in_dim3A_321, %broadcast_in_dim3A_322 : vector<16xi1>, vector<16xf32>
      %swap3A_324 = arith.constant 192 : index
      %swap3A_325 = tpu.vector_load %arg10[%swap3A_324] {strides = array<i32>} : memref<512xf32, #tpu.memory_space<vmem>>, vector<16xf32>,
      tpu.vector_store %arg10[%swap3A_324], %select_n3A_323 {strides = array<i32>} : memref<512xf32, #tpu.memory_space<vmem>>, vector<16xf32>,
      %get3A_326 = arith.constant 0 : index
      %get3A_327 = tpu.vector_load %arg8[%get3A_326] {strides = array<i32>} : memref<1024xi32, #tpu.memory_space<vmem>>, vector<16xi32>,
      %swap3A_328 = arith.constant 192 : index
      %swap3A_329 = tpu.vector_load %arg9[%swap3A_328] {strides = array<i32>} : memref<512xi32, #tpu.memory_space<vmem>>, vector<16xi32>,
      tpu.vector_store %arg9[%swap3A_328], %get3A_327 {strides = array<i32>} : memref<512xi32, #tpu.memory_space<vmem>>, vector<16xi32>,
      %add3A_330 = arith.constant 16 : i32
      %add3A_331 = vector.broadcast %add3A_330 : i32 to vector<16xi32>
      %add3A_332 = arith.addi %iota3A, %add3A_331 : vector<16xi32>
      %lt3A_333 = arith.cmpi slt, %add3A_332, %min3A_314 : vector<16xi32>
      %jit3A_334 = arith.constant 1.000000e+00 : f32
      %jit3A_335 = arith.constant 0.000000e+00 : f32
      %broadcast_in_dim3A_336 = vector.broadcast %jit3A_334 : f32 to vector<16xf32>
      %broadcast_in_dim3A_337 = vector.broadcast %jit3A_335 : f32 to vector<16xf32>
      %select_n3A_338 = arith.select %lt3A_333, %broadcast_in_dim3A_336, %broadcast_in_dim3A_337 : vector<16xi1>, vector<16xf32>
      %swap3A_339 = arith.constant 208 : index
      %swap3A_340 = tpu.vector_load %arg10[%swap3A_339] {strides = array<i32>} : memref<512xf32, #tpu.memory_space<vmem>>, vector<16xf32>,
      tpu.vector_store %arg10[%swap3A_339], %select_n3A_338 {strides = array<i32>} : memref<512xf32, #tpu.memory_space<vmem>>, vector<16xf32>,
      %get3A_341 = arith.constant 16 : index
      %get3A_342 = tpu.vector_load %arg8[%get3A_341] {strides = array<i32>} : memref<1024xi32, #tpu.memory_space<vmem>>, vector<16xi32>,
      %swap3A_343 = arith.constant 208 : index
      %swap3A_344 = tpu.vector_load %arg9[%swap3A_343] {strides = array<i32>} : memref<512xi32, #tpu.memory_space<vmem>>, vector<16xi32>,
      tpu.vector_store %arg9[%swap3A_343], %get3A_342 {strides = array<i32>} : memref<512xi32, #tpu.memory_space<vmem>>, vector<16xi32>,
      %add3A_345 = arith.constant 32 : i32
      %add3A_346 = vector.broadcast %add3A_345 : i32 to vector<16xi32>
      %add3A_347 = arith.addi %iota3A, %add3A_346 : vector<16xi32>
      %lt3A_348 = arith.cmpi slt, %add3A_347, %min3A_314 : vector<16xi32>
      %jit3A_349 = arith.constant 1.000000e+00 : f32
      %jit3A_350 = arith.constant 0.000000e+00 : f32
      %broadcast_in_dim3A_351 = vector.broadcast %jit3A_349 : f32 to vector<16xf32>
      %broadcast_in_dim3A_352 = vector.broadcast %jit3A_350 : f32 to vector<16xf32>
      %select_n3A_353 = arith.select %lt3A_348, %broadcast_in_dim3A_351, %broadcast_in_dim3A_352 : vector<16xi1>, vector<16xf32>
      %swap3A_354 = arith.constant 224 : index
      %swap3A_355 = tpu.vector_load %arg10[%swap3A_354] {strides = array<i32>} : memref<512xf32, #tpu.memory_space<vmem>>, vector<16xf32>,
      tpu.vector_store %arg10[%swap3A_354], %select_n3A_353 {strides = array<i32>} : memref<512xf32, #tpu.memory_space<vmem>>, vector<16xf32>,
      %get3A_356 = arith.constant 32 : index
      %get3A_357 = tpu.vector_load %arg8[%get3A_356] {strides = array<i32>} : memref<1024xi32, #tpu.memory_space<vmem>>, vector<16xi32>,
      %swap3A_358 = arith.constant 224 : index
      %swap3A_359 = tpu.vector_load %arg9[%swap3A_358] {strides = array<i32>} : memref<512xi32, #tpu.memory_space<vmem>>, vector<16xi32>,
      tpu.vector_store %arg9[%swap3A_358], %get3A_357 {strides = array<i32>} : memref<512xi32, #tpu.memory_space<vmem>>, vector<16xi32>,
      %add3A_360 = arith.constant 48 : i32
      %add3A_361 = vector.broadcast %add3A_360 : i32 to vector<16xi32>
      %add3A_362 = arith.addi %iota3A, %add3A_361 : vector<16xi32>
      %lt3A_363 = arith.cmpi slt, %add3A_362, %min3A_314 : vector<16xi32>
      %jit3A_364 = arith.constant 1.000000e+00 : f32
      %jit3A_365 = arith.constant 0.000000e+00 : f32
      %broadcast_in_dim3A_366 = vector.broadcast %jit3A_364 : f32 to vector<16xf32>
      %broadcast_in_dim3A_367 = vector.broadcast %jit3A_365 : f32 to vector<16xf32>
      %select_n3A_368 = arith.select %lt3A_363, %broadcast_in_dim3A_366, %broadcast_in_dim3A_367 : vector<16xi1>, vector<16xf32>
      %swap3A_369 = arith.constant 240 : index
      %swap3A_370 = tpu.vector_load %arg10[%swap3A_369] {strides = array<i32>} : memref<512xf32, #tpu.memory_space<vmem>>, vector<16xf32>,
      tpu.vector_store %arg10[%swap3A_369], %select_n3A_368 {strides = array<i32>} : memref<512xf32, #tpu.memory_space<vmem>>, vector<16xf32>,
      %get3A_371 = arith.constant 48 : index
      %get3A_372 = tpu.vector_load %arg8[%get3A_371] {strides = array<i32>} : memref<1024xi32, #tpu.memory_space<vmem>>, vector<16xi32>,
      %swap3A_373 = arith.constant 240 : index
      %swap3A_374 = tpu.vector_load %arg9[%swap3A_373] {strides = array<i32>} : memref<512xi32, #tpu.memory_space<vmem>>, vector<16xi32>,
      tpu.vector_store %arg9[%swap3A_373], %get3A_372 {strides = array<i32>} : memref<512xi32, #tpu.memory_space<vmem>>, vector<16xi32>,
      %mul3A_375 = arith.constant 8 : i32
      %mul3A_376 = arith.muli %add3A_12, %mul3A_375 : i32
      %add3A_377 = arith.constant 4 : i32
      %add3A_378 = arith.addi %mul3A_376, %add3A_377 : i32
      %broadcast_in_dim3A_379 = vector.broadcast %add3A_378 : i32 to vector<16xi32>
      %gather3A_380 = tpu.vector_load_idx %arg7[%broadcast_in_dim3A_379] : memref<64xf32, #tpu.memory_space<vmem>>[vector<16xi32>], vector<16xf32>,
      %swap3A_381 = arith.constant 0 : index
      %swap3A_382 = tpu.vector_load %arg8[%swap3A_381] {strides = array<i32>} : memref<1024xi32, #tpu.memory_space<vmem>>, vector<16xi32>,
      tpu.vector_store %arg8[%swap3A_381], %broadcast_in_dim3A_3 {strides = array<i32>} : memref<1024xi32, #tpu.memory_space<vmem>>, vector<16xi32>,
      %swap3A_383 = arith.constant 16 : index
      %swap3A_384 = tpu.vector_load %arg8[%swap3A_383] {strides = array<i32>} : memref<1024xi32, #tpu.memory_space<vmem>>, vector<16xi32>,
      tpu.vector_store %arg8[%swap3A_383], %broadcast_in_dim3A_3 {strides = array<i32>} : memref<1024xi32, #tpu.memory_space<vmem>>, vector<16xi32>,
      %swap3A_385 = arith.constant 32 : index
      %swap3A_386 = tpu.vector_load %arg8[%swap3A_385] {strides = array<i32>} : memref<1024xi32, #tpu.memory_space<vmem>>, vector<16xi32>,
      tpu.vector_store %arg8[%swap3A_385], %broadcast_in_dim3A_3 {strides = array<i32>} : memref<1024xi32, #tpu.memory_space<vmem>>, vector<16xi32>,
      %swap3A_387 = arith.constant 48 : index
      %swap3A_388 = tpu.vector_load %arg8[%swap3A_387] {strides = array<i32>} : memref<1024xi32, #tpu.memory_space<vmem>>, vector<16xi32>,
      tpu.vector_store %arg8[%swap3A_387], %broadcast_in_dim3A_3 {strides = array<i32>} : memref<1024xi32, #tpu.memory_space<vmem>>, vector<16xi32>,
      %broadcast_in_dim3A_389 = arith.constant 0 : i32
      %broadcast_in_dim3A_390 = vector.broadcast %broadcast_in_dim3A_389 : i32 to vector<16xi32>
      %scan3A_391 = arith.constant 0 : i32
      %scan3A_392 = arith.constant 64 : i32
      %scan3A_393 = arith.addi %scan3A_391, %scan3A_392 : i32
      %scan3A_394 = arith.constant 1 : i32
      %scan3A_395 = scf.for %scan3A_749 = %scan3A_391 to %scan3A_393 step %scan3A_394 iter_args(%scan3A_750 = %broadcast_in_dim3A_390) -> (vector<16xi32>)  : i32 {
        %mul3A_751 = arith.constant 16 : i32
        %mul3A_752 = arith.muli %scan3A_749, %mul3A_751 : i32
        %add3A_753 = arith.constant 4096 : i32
        %add3A_754 = arith.addi %add3A_753, %mul3A_752 : i32
        %get3A_755 = arith.index_cast %add3A_754 : i32 to index
        %get3A_756 = tpu.vector_load %arg6[%get3A_755] {strides = array<i32>} : memref<8192xf32, #tpu.memory_space<vmem>>, vector<16xf32>,
        %lt3A_757 = arith.cmpf olt, %get3A_756, %gather3A_380 : vector<16xf32>
        %all_reduce_population_count3A = tpu.all_reduce %lt3A_757 {dim = 0 : i64, kind = #tpu.reduction_kind<sum>} : vector<16xi1> -> vector<16xi32>
        %convert_element_type3A = arith.extui %lt3A_757 : vector<16xi1> to vector<16xi32>
        %broadcast_in_dim3A_758 = arith.constant true
        %broadcast_in_dim3A_759 = vector.broadcast %broadcast_in_dim3A_758 : i1 to vector<16xi1>
        %masked_cumsum3A = tpu.scan <sum>, %convert_element_type3A masked %broadcast_in_dim3A_759 : vector<16xi32>, vector<16xi1> -> vector<16xi32>
        %sub3A = arith.subi %masked_cumsum3A, %convert_element_type3A : vector<16xi32>
        %add3A_760 = arith.addi %sub3A, %scan3A_750 : vector<16xi32>
        %mul3A_761 = arith.constant 16 : i32
        %mul3A_762 = arith.muli %scan3A_749, %mul3A_761 : i32
        %add3A_763 = vector.broadcast %mul3A_762 : i32 to vector<16xi32>
        %add3A_764 = arith.addi %iota3A, %add3A_763 : vector<16xi32>
        tpu.vector_store_idx %arg8[%add3A_760], %add3A_764 masked %lt3A_757 : memref<1024xi32, #tpu.memory_space<vmem>>[vector<16xi32>], vector<16xi32>, vector<16xi1>
        %add3A_765 = arith.addi %scan3A_750, %all_reduce_population_count3A : vector<16xi32>
        scf.yield %add3A_765 : vector<16xi32>
      }
      %scan3A_396 = arith.constant 64 : i32
      %scan3A_397 = arith.constant 0 : i32
      %scan3A_398 = arith.constant 64 : i32
      %scan3A_399 = arith.addi %scan3A_397, %scan3A_398 : i32
      %scan3A_400 = arith.constant 1 : i32
      %scan3A_401 = scf.for %scan3A_749 = %scan3A_397 to %scan3A_399 step %scan3A_400 iter_args(%scan3A_750 = %scan3A_395) -> (vector<16xi32>)  : i32 {
        %mul3A_751 = arith.constant 16 : i32
        %mul3A_752 = arith.muli %scan3A_749, %mul3A_751 : i32
        %add3A_753 = arith.constant 4096 : i32
        %add3A_754 = arith.addi %add3A_753, %mul3A_752 : i32
        %get3A_755 = arith.index_cast %add3A_754 : i32 to index
        %get3A_756 = tpu.vector_load %arg6[%get3A_755] {strides = array<i32>} : memref<8192xf32, #tpu.memory_space<vmem>>, vector<16xf32>,
        %eq3A = arith.cmpf oeq, %get3A_756, %gather3A_380 : vector<16xf32>
        %all_reduce_population_count3A = tpu.all_reduce %eq3A {dim = 0 : i64, kind = #tpu.reduction_kind<sum>} : vector<16xi1> -> vector<16xi32>
        %convert_element_type3A = arith.extui %eq3A : vector<16xi1> to vector<16xi32>
        %broadcast_in_dim3A_757 = arith.constant true
        %broadcast_in_dim3A_758 = vector.broadcast %broadcast_in_dim3A_757 : i1 to vector<16xi1>
        %masked_cumsum3A = tpu.scan <sum>, %convert_element_type3A masked %broadcast_in_dim3A_758 : vector<16xi32>, vector<16xi1> -> vector<16xi32>
        %sub3A = arith.subi %masked_cumsum3A, %convert_element_type3A : vector<16xi32>
        %add3A_759 = arith.addi %sub3A, %scan3A_750 : vector<16xi32>
        %mul3A_760 = arith.constant 16 : i32
        %mul3A_761 = arith.muli %scan3A_749, %mul3A_760 : i32
        %add3A_762 = vector.broadcast %mul3A_761 : i32 to vector<16xi32>
        %add3A_763 = arith.addi %iota3A, %add3A_762 : vector<16xi32>
        tpu.vector_store_idx %arg8[%add3A_759], %add3A_763 masked %eq3A : memref<1024xi32, #tpu.memory_space<vmem>>[vector<16xi32>], vector<16xi32>, vector<16xi1>
        %add3A_764 = arith.addi %scan3A_750, %all_reduce_population_count3A : vector<16xi32>
        scf.yield %add3A_764 : vector<16xi32>
      }
      %scan3A_402 = arith.constant 64 : i32
      %min3A_403 = arith.constant 64 : i32
      %min3A_404 = vector.broadcast %min3A_403 : i32 to vector<16xi32>
      %min3A_405 = arith.minsi %scan3A_401, %min3A_404 : vector<16xi32>
      %add3A_406 = arith.constant 0 : i32
      %add3A_407 = vector.broadcast %add3A_406 : i32 to vector<16xi32>
      %add3A_408 = arith.addi %iota3A, %add3A_407 : vector<16xi32>
      %lt3A_409 = arith.cmpi slt, %add3A_408, %min3A_405 : vector<16xi32>
      %jit3A_410 = arith.constant 1.000000e+00 : f32
      %jit3A_411 = arith.constant 0.000000e+00 : f32
      %broadcast_in_dim3A_412 = vector.broadcast %jit3A_410 : f32 to vector<16xf32>
      %broadcast_in_dim3A_413 = vector.broadcast %jit3A_411 : f32 to vector<16xf32>
      %select_n3A_414 = arith.select %lt3A_409, %broadcast_in_dim3A_412, %broadcast_in_dim3A_413 : vector<16xi1>, vector<16xf32>
      %swap3A_415 = arith.constant 256 : index
      %swap3A_416 = tpu.vector_load %arg10[%swap3A_415] {strides = array<i32>} : memref<512xf32, #tpu.memory_space<vmem>>, vector<16xf32>,
      tpu.vector_store %arg10[%swap3A_415], %select_n3A_414 {strides = array<i32>} : memref<512xf32, #tpu.memory_space<vmem>>, vector<16xf32>,
      %get3A_417 = arith.constant 0 : index
      %get3A_418 = tpu.vector_load %arg8[%get3A_417] {strides = array<i32>} : memref<1024xi32, #tpu.memory_space<vmem>>, vector<16xi32>,
      %swap3A_419 = arith.constant 256 : index
      %swap3A_420 = tpu.vector_load %arg9[%swap3A_419] {strides = array<i32>} : memref<512xi32, #tpu.memory_space<vmem>>, vector<16xi32>,
      tpu.vector_store %arg9[%swap3A_419], %get3A_418 {strides = array<i32>} : memref<512xi32, #tpu.memory_space<vmem>>, vector<16xi32>,
      %add3A_421 = arith.constant 16 : i32
      %add3A_422 = vector.broadcast %add3A_421 : i32 to vector<16xi32>
      %add3A_423 = arith.addi %iota3A, %add3A_422 : vector<16xi32>
      %lt3A_424 = arith.cmpi slt, %add3A_423, %min3A_405 : vector<16xi32>
      %jit3A_425 = arith.constant 1.000000e+00 : f32
      %jit3A_426 = arith.constant 0.000000e+00 : f32
      %broadcast_in_dim3A_427 = vector.broadcast %jit3A_425 : f32 to vector<16xf32>
      %broadcast_in_dim3A_428 = vector.broadcast %jit3A_426 : f32 to vector<16xf32>
      %select_n3A_429 = arith.select %lt3A_424, %broadcast_in_dim3A_427, %broadcast_in_dim3A_428 : vector<16xi1>, vector<16xf32>
      %swap3A_430 = arith.constant 272 : index
      %swap3A_431 = tpu.vector_load %arg10[%swap3A_430] {strides = array<i32>} : memref<512xf32, #tpu.memory_space<vmem>>, vector<16xf32>,
      tpu.vector_store %arg10[%swap3A_430], %select_n3A_429 {strides = array<i32>} : memref<512xf32, #tpu.memory_space<vmem>>, vector<16xf32>,
      %get3A_432 = arith.constant 16 : index
      %get3A_433 = tpu.vector_load %arg8[%get3A_432] {strides = array<i32>} : memref<1024xi32, #tpu.memory_space<vmem>>, vector<16xi32>,
      %swap3A_434 = arith.constant 272 : index
      %swap3A_435 = tpu.vector_load %arg9[%swap3A_434] {strides = array<i32>} : memref<512xi32, #tpu.memory_space<vmem>>, vector<16xi32>,
      tpu.vector_store %arg9[%swap3A_434], %get3A_433 {strides = array<i32>} : memref<512xi32, #tpu.memory_space<vmem>>, vector<16xi32>,
      %add3A_436 = arith.constant 32 : i32
      %add3A_437 = vector.broadcast %add3A_436 : i32 to vector<16xi32>
      %add3A_438 = arith.addi %iota3A, %add3A_437 : vector<16xi32>
      %lt3A_439 = arith.cmpi slt, %add3A_438, %min3A_405 : vector<16xi32>
      %jit3A_440 = arith.constant 1.000000e+00 : f32
      %jit3A_441 = arith.constant 0.000000e+00 : f32
      %broadcast_in_dim3A_442 = vector.broadcast %jit3A_440 : f32 to vector<16xf32>
      %broadcast_in_dim3A_443 = vector.broadcast %jit3A_441 : f32 to vector<16xf32>
      %select_n3A_444 = arith.select %lt3A_439, %broadcast_in_dim3A_442, %broadcast_in_dim3A_443 : vector<16xi1>, vector<16xf32>
      %swap3A_445 = arith.constant 288 : index
      %swap3A_446 = tpu.vector_load %arg10[%swap3A_445] {strides = array<i32>} : memref<512xf32, #tpu.memory_space<vmem>>, vector<16xf32>,
      tpu.vector_store %arg10[%swap3A_445], %select_n3A_444 {strides = array<i32>} : memref<512xf32, #tpu.memory_space<vmem>>, vector<16xf32>,
      %get3A_447 = arith.constant 32 : index
      %get3A_448 = tpu.vector_load %arg8[%get3A_447] {strides = array<i32>} : memref<1024xi32, #tpu.memory_space<vmem>>, vector<16xi32>,
      %swap3A_449 = arith.constant 288 : index
      %swap3A_450 = tpu.vector_load %arg9[%swap3A_449] {strides = array<i32>} : memref<512xi32, #tpu.memory_space<vmem>>, vector<16xi32>,
      tpu.vector_store %arg9[%swap3A_449], %get3A_448 {strides = array<i32>} : memref<512xi32, #tpu.memory_space<vmem>>, vector<16xi32>,
      %add3A_451 = arith.constant 48 : i32
      %add3A_452 = vector.broadcast %add3A_451 : i32 to vector<16xi32>
      %add3A_453 = arith.addi %iota3A, %add3A_452 : vector<16xi32>
      %lt3A_454 = arith.cmpi slt, %add3A_453, %min3A_405 : vector<16xi32>
      %jit3A_455 = arith.constant 1.000000e+00 : f32
      %jit3A_456 = arith.constant 0.000000e+00 : f32
      %broadcast_in_dim3A_457 = vector.broadcast %jit3A_455 : f32 to vector<16xf32>
      %broadcast_in_dim3A_458 = vector.broadcast %jit3A_456 : f32 to vector<16xf32>
      %select_n3A_459 = arith.select %lt3A_454, %broadcast_in_dim3A_457, %broadcast_in_dim3A_458 : vector<16xi1>, vector<16xf32>
      %swap3A_460 = arith.constant 304 : index
      %swap3A_461 = tpu.vector_load %arg10[%swap3A_460] {strides = array<i32>} : memref<512xf32, #tpu.memory_space<vmem>>, vector<16xf32>,
      tpu.vector_store %arg10[%swap3A_460], %select_n3A_459 {strides = array<i32>} : memref<512xf32, #tpu.memory_space<vmem>>, vector<16xf32>,
      %get3A_462 = arith.constant 48 : index
      %get3A_463 = tpu.vector_load %arg8[%get3A_462] {strides = array<i32>} : memref<1024xi32, #tpu.memory_space<vmem>>, vector<16xi32>,
      %swap3A_464 = arith.constant 304 : index
      %swap3A_465 = tpu.vector_load %arg9[%swap3A_464] {strides = array<i32>} : memref<512xi32, #tpu.memory_space<vmem>>, vector<16xi32>,
      tpu.vector_store %arg9[%swap3A_464], %get3A_463 {strides = array<i32>} : memref<512xi32, #tpu.memory_space<vmem>>, vector<16xi32>,
      %mul3A_466 = arith.constant 8 : i32
      %mul3A_467 = arith.muli %add3A_12, %mul3A_466 : i32
      %add3A_468 = arith.constant 5 : i32
      %add3A_469 = arith.addi %mul3A_467, %add3A_468 : i32
      %broadcast_in_dim3A_470 = vector.broadcast %add3A_469 : i32 to vector<16xi32>
      %gather3A_471 = tpu.vector_load_idx %arg7[%broadcast_in_dim3A_470] : memref<64xf32, #tpu.memory_space<vmem>>[vector<16xi32>], vector<16xf32>,
      %swap3A_472 = arith.constant 0 : index
      %swap3A_473 = tpu.vector_load %arg8[%swap3A_472] {strides = array<i32>} : memref<1024xi32, #tpu.memory_space<vmem>>, vector<16xi32>,
      tpu.vector_store %arg8[%swap3A_472], %broadcast_in_dim3A_3 {strides = array<i32>} : memref<1024xi32, #tpu.memory_space<vmem>>, vector<16xi32>,
      %swap3A_474 = arith.constant 16 : index
      %swap3A_475 = tpu.vector_load %arg8[%swap3A_474] {strides = array<i32>} : memref<1024xi32, #tpu.memory_space<vmem>>, vector<16xi32>,
      tpu.vector_store %arg8[%swap3A_474], %broadcast_in_dim3A_3 {strides = array<i32>} : memref<1024xi32, #tpu.memory_space<vmem>>, vector<16xi32>,
      %swap3A_476 = arith.constant 32 : index
      %swap3A_477 = tpu.vector_load %arg8[%swap3A_476] {strides = array<i32>} : memref<1024xi32, #tpu.memory_space<vmem>>, vector<16xi32>,
      tpu.vector_store %arg8[%swap3A_476], %broadcast_in_dim3A_3 {strides = array<i32>} : memref<1024xi32, #tpu.memory_space<vmem>>, vector<16xi32>,
      %swap3A_478 = arith.constant 48 : index
      %swap3A_479 = tpu.vector_load %arg8[%swap3A_478] {strides = array<i32>} : memref<1024xi32, #tpu.memory_space<vmem>>, vector<16xi32>,
      tpu.vector_store %arg8[%swap3A_478], %broadcast_in_dim3A_3 {strides = array<i32>} : memref<1024xi32, #tpu.memory_space<vmem>>, vector<16xi32>,
      %broadcast_in_dim3A_480 = arith.constant 0 : i32
      %broadcast_in_dim3A_481 = vector.broadcast %broadcast_in_dim3A_480 : i32 to vector<16xi32>
      %scan3A_482 = arith.constant 0 : i32
      %scan3A_483 = arith.constant 64 : i32
      %scan3A_484 = arith.addi %scan3A_482, %scan3A_483 : i32
      %scan3A_485 = arith.constant 1 : i32
      %scan3A_486 = scf.for %scan3A_749 = %scan3A_482 to %scan3A_484 step %scan3A_485 iter_args(%scan3A_750 = %broadcast_in_dim3A_481) -> (vector<16xi32>)  : i32 {
        %mul3A_751 = arith.constant 16 : i32
        %mul3A_752 = arith.muli %scan3A_749, %mul3A_751 : i32
        %add3A_753 = arith.constant 5120 : i32
        %add3A_754 = arith.addi %add3A_753, %mul3A_752 : i32
        %get3A_755 = arith.index_cast %add3A_754 : i32 to index
        %get3A_756 = tpu.vector_load %arg6[%get3A_755] {strides = array<i32>} : memref<8192xf32, #tpu.memory_space<vmem>>, vector<16xf32>,
        %lt3A_757 = arith.cmpf olt, %get3A_756, %gather3A_471 : vector<16xf32>
        %all_reduce_population_count3A = tpu.all_reduce %lt3A_757 {dim = 0 : i64, kind = #tpu.reduction_kind<sum>} : vector<16xi1> -> vector<16xi32>
        %convert_element_type3A = arith.extui %lt3A_757 : vector<16xi1> to vector<16xi32>
        %broadcast_in_dim3A_758 = arith.constant true
        %broadcast_in_dim3A_759 = vector.broadcast %broadcast_in_dim3A_758 : i1 to vector<16xi1>
        %masked_cumsum3A = tpu.scan <sum>, %convert_element_type3A masked %broadcast_in_dim3A_759 : vector<16xi32>, vector<16xi1> -> vector<16xi32>
        %sub3A = arith.subi %masked_cumsum3A, %convert_element_type3A : vector<16xi32>
        %add3A_760 = arith.addi %sub3A, %scan3A_750 : vector<16xi32>
        %mul3A_761 = arith.constant 16 : i32
        %mul3A_762 = arith.muli %scan3A_749, %mul3A_761 : i32
        %add3A_763 = vector.broadcast %mul3A_762 : i32 to vector<16xi32>
        %add3A_764 = arith.addi %iota3A, %add3A_763 : vector<16xi32>
        tpu.vector_store_idx %arg8[%add3A_760], %add3A_764 masked %lt3A_757 : memref<1024xi32, #tpu.memory_space<vmem>>[vector<16xi32>], vector<16xi32>, vector<16xi1>
        %add3A_765 = arith.addi %scan3A_750, %all_reduce_population_count3A : vector<16xi32>
        scf.yield %add3A_765 : vector<16xi32>
      }
      %scan3A_487 = arith.constant 64 : i32
      %scan3A_488 = arith.constant 0 : i32
      %scan3A_489 = arith.constant 64 : i32
      %scan3A_490 = arith.addi %scan3A_488, %scan3A_489 : i32
      %scan3A_491 = arith.constant 1 : i32
      %scan3A_492 = scf.for %scan3A_749 = %scan3A_488 to %scan3A_490 step %scan3A_491 iter_args(%scan3A_750 = %scan3A_486) -> (vector<16xi32>)  : i32 {
        %mul3A_751 = arith.constant 16 : i32
        %mul3A_752 = arith.muli %scan3A_749, %mul3A_751 : i32
        %add3A_753 = arith.constant 5120 : i32
        %add3A_754 = arith.addi %add3A_753, %mul3A_752 : i32
        %get3A_755 = arith.index_cast %add3A_754 : i32 to index
        %get3A_756 = tpu.vector_load %arg6[%get3A_755] {strides = array<i32>} : memref<8192xf32, #tpu.memory_space<vmem>>, vector<16xf32>,
        %eq3A = arith.cmpf oeq, %get3A_756, %gather3A_471 : vector<16xf32>
        %all_reduce_population_count3A = tpu.all_reduce %eq3A {dim = 0 : i64, kind = #tpu.reduction_kind<sum>} : vector<16xi1> -> vector<16xi32>
        %convert_element_type3A = arith.extui %eq3A : vector<16xi1> to vector<16xi32>
        %broadcast_in_dim3A_757 = arith.constant true
        %broadcast_in_dim3A_758 = vector.broadcast %broadcast_in_dim3A_757 : i1 to vector<16xi1>
        %masked_cumsum3A = tpu.scan <sum>, %convert_element_type3A masked %broadcast_in_dim3A_758 : vector<16xi32>, vector<16xi1> -> vector<16xi32>
        %sub3A = arith.subi %masked_cumsum3A, %convert_element_type3A : vector<16xi32>
        %add3A_759 = arith.addi %sub3A, %scan3A_750 : vector<16xi32>
        %mul3A_760 = arith.constant 16 : i32
        %mul3A_761 = arith.muli %scan3A_749, %mul3A_760 : i32
        %add3A_762 = vector.broadcast %mul3A_761 : i32 to vector<16xi32>
        %add3A_763 = arith.addi %iota3A, %add3A_762 : vector<16xi32>
        tpu.vector_store_idx %arg8[%add3A_759], %add3A_763 masked %eq3A : memref<1024xi32, #tpu.memory_space<vmem>>[vector<16xi32>], vector<16xi32>, vector<16xi1>
        %add3A_764 = arith.addi %scan3A_750, %all_reduce_population_count3A : vector<16xi32>
        scf.yield %add3A_764 : vector<16xi32>
      }
      %scan3A_493 = arith.constant 64 : i32
      %min3A_494 = arith.constant 64 : i32
      %min3A_495 = vector.broadcast %min3A_494 : i32 to vector<16xi32>
      %min3A_496 = arith.minsi %scan3A_492, %min3A_495 : vector<16xi32>
      %add3A_497 = arith.constant 0 : i32
      %add3A_498 = vector.broadcast %add3A_497 : i32 to vector<16xi32>
      %add3A_499 = arith.addi %iota3A, %add3A_498 : vector<16xi32>
      %lt3A_500 = arith.cmpi slt, %add3A_499, %min3A_496 : vector<16xi32>
      %jit3A_501 = arith.constant 1.000000e+00 : f32
      %jit3A_502 = arith.constant 0.000000e+00 : f32
      %broadcast_in_dim3A_503 = vector.broadcast %jit3A_501 : f32 to vector<16xf32>
      %broadcast_in_dim3A_504 = vector.broadcast %jit3A_502 : f32 to vector<16xf32>
      %select_n3A_505 = arith.select %lt3A_500, %broadcast_in_dim3A_503, %broadcast_in_dim3A_504 : vector<16xi1>, vector<16xf32>
      %swap3A_506 = arith.constant 320 : index
      %swap3A_507 = tpu.vector_load %arg10[%swap3A_506] {strides = array<i32>} : memref<512xf32, #tpu.memory_space<vmem>>, vector<16xf32>,
      tpu.vector_store %arg10[%swap3A_506], %select_n3A_505 {strides = array<i32>} : memref<512xf32, #tpu.memory_space<vmem>>, vector<16xf32>,
      %get3A_508 = arith.constant 0 : index
      %get3A_509 = tpu.vector_load %arg8[%get3A_508] {strides = array<i32>} : memref<1024xi32, #tpu.memory_space<vmem>>, vector<16xi32>,
      %swap3A_510 = arith.constant 320 : index
      %swap3A_511 = tpu.vector_load %arg9[%swap3A_510] {strides = array<i32>} : memref<512xi32, #tpu.memory_space<vmem>>, vector<16xi32>,
      tpu.vector_store %arg9[%swap3A_510], %get3A_509 {strides = array<i32>} : memref<512xi32, #tpu.memory_space<vmem>>, vector<16xi32>,
      %add3A_512 = arith.constant 16 : i32
      %add3A_513 = vector.broadcast %add3A_512 : i32 to vector<16xi32>
      %add3A_514 = arith.addi %iota3A, %add3A_513 : vector<16xi32>
      %lt3A_515 = arith.cmpi slt, %add3A_514, %min3A_496 : vector<16xi32>
      %jit3A_516 = arith.constant 1.000000e+00 : f32
      %jit3A_517 = arith.constant 0.000000e+00 : f32
      %broadcast_in_dim3A_518 = vector.broadcast %jit3A_516 : f32 to vector<16xf32>
      %broadcast_in_dim3A_519 = vector.broadcast %jit3A_517 : f32 to vector<16xf32>
      %select_n3A_520 = arith.select %lt3A_515, %broadcast_in_dim3A_518, %broadcast_in_dim3A_519 : vector<16xi1>, vector<16xf32>
      %swap3A_521 = arith.constant 336 : index
      %swap3A_522 = tpu.vector_load %arg10[%swap3A_521] {strides = array<i32>} : memref<512xf32, #tpu.memory_space<vmem>>, vector<16xf32>,
      tpu.vector_store %arg10[%swap3A_521], %select_n3A_520 {strides = array<i32>} : memref<512xf32, #tpu.memory_space<vmem>>, vector<16xf32>,
      %get3A_523 = arith.constant 16 : index
      %get3A_524 = tpu.vector_load %arg8[%get3A_523] {strides = array<i32>} : memref<1024xi32, #tpu.memory_space<vmem>>, vector<16xi32>,
      %swap3A_525 = arith.constant 336 : index
      %swap3A_526 = tpu.vector_load %arg9[%swap3A_525] {strides = array<i32>} : memref<512xi32, #tpu.memory_space<vmem>>, vector<16xi32>,
      tpu.vector_store %arg9[%swap3A_525], %get3A_524 {strides = array<i32>} : memref<512xi32, #tpu.memory_space<vmem>>, vector<16xi32>,
      %add3A_527 = arith.constant 32 : i32
      %add3A_528 = vector.broadcast %add3A_527 : i32 to vector<16xi32>
      %add3A_529 = arith.addi %iota3A, %add3A_528 : vector<16xi32>
      %lt3A_530 = arith.cmpi slt, %add3A_529, %min3A_496 : vector<16xi32>
      %jit3A_531 = arith.constant 1.000000e+00 : f32
      %jit3A_532 = arith.constant 0.000000e+00 : f32
      %broadcast_in_dim3A_533 = vector.broadcast %jit3A_531 : f32 to vector<16xf32>
      %broadcast_in_dim3A_534 = vector.broadcast %jit3A_532 : f32 to vector<16xf32>
      %select_n3A_535 = arith.select %lt3A_530, %broadcast_in_dim3A_533, %broadcast_in_dim3A_534 : vector<16xi1>, vector<16xf32>
      %swap3A_536 = arith.constant 352 : index
      %swap3A_537 = tpu.vector_load %arg10[%swap3A_536] {strides = array<i32>} : memref<512xf32, #tpu.memory_space<vmem>>, vector<16xf32>,
      tpu.vector_store %arg10[%swap3A_536], %select_n3A_535 {strides = array<i32>} : memref<512xf32, #tpu.memory_space<vmem>>, vector<16xf32>,
      %get3A_538 = arith.constant 32 : index
      %get3A_539 = tpu.vector_load %arg8[%get3A_538] {strides = array<i32>} : memref<1024xi32, #tpu.memory_space<vmem>>, vector<16xi32>,
      %swap3A_540 = arith.constant 352 : index
      %swap3A_541 = tpu.vector_load %arg9[%swap3A_540] {strides = array<i32>} : memref<512xi32, #tpu.memory_space<vmem>>, vector<16xi32>,
      tpu.vector_store %arg9[%swap3A_540], %get3A_539 {strides = array<i32>} : memref<512xi32, #tpu.memory_space<vmem>>, vector<16xi32>,
      %add3A_542 = arith.constant 48 : i32
      %add3A_543 = vector.broadcast %add3A_542 : i32 to vector<16xi32>
      %add3A_544 = arith.addi %iota3A, %add3A_543 : vector<16xi32>
      %lt3A_545 = arith.cmpi slt, %add3A_544, %min3A_496 : vector<16xi32>
      %jit3A_546 = arith.constant 1.000000e+00 : f32
      %jit3A_547 = arith.constant 0.000000e+00 : f32
      %broadcast_in_dim3A_548 = vector.broadcast %jit3A_546 : f32 to vector<16xf32>
      %broadcast_in_dim3A_549 = vector.broadcast %jit3A_547 : f32 to vector<16xf32>
      %select_n3A_550 = arith.select %lt3A_545, %broadcast_in_dim3A_548, %broadcast_in_dim3A_549 : vector<16xi1>, vector<16xf32>
      %swap3A_551 = arith.constant 368 : index
      %swap3A_552 = tpu.vector_load %arg10[%swap3A_551] {strides = array<i32>} : memref<512xf32, #tpu.memory_space<vmem>>, vector<16xf32>,
      tpu.vector_store %arg10[%swap3A_551], %select_n3A_550 {strides = array<i32>} : memref<512xf32, #tpu.memory_space<vmem>>, vector<16xf32>,
      %get3A_553 = arith.constant 48 : index
      %get3A_554 = tpu.vector_load %arg8[%get3A_553] {strides = array<i32>} : memref<1024xi32, #tpu.memory_space<vmem>>, vector<16xi32>,
      %swap3A_555 = arith.constant 368 : index
      %swap3A_556 = tpu.vector_load %arg9[%swap3A_555] {strides = array<i32>} : memref<512xi32, #tpu.memory_space<vmem>>, vector<16xi32>,
      tpu.vector_store %arg9[%swap3A_555], %get3A_554 {strides = array<i32>} : memref<512xi32, #tpu.memory_space<vmem>>, vector<16xi32>,
      %mul3A_557 = arith.constant 8 : i32
      %mul3A_558 = arith.muli %add3A_12, %mul3A_557 : i32
      %add3A_559 = arith.constant 6 : i32
      %add3A_560 = arith.addi %mul3A_558, %add3A_559 : i32
      %broadcast_in_dim3A_561 = vector.broadcast %add3A_560 : i32 to vector<16xi32>
      %gather3A_562 = tpu.vector_load_idx %arg7[%broadcast_in_dim3A_561] : memref<64xf32, #tpu.memory_space<vmem>>[vector<16xi32>], vector<16xf32>,
      %swap3A_563 = arith.constant 0 : index
      %swap3A_564 = tpu.vector_load %arg8[%swap3A_563] {strides = array<i32>} : memref<1024xi32, #tpu.memory_space<vmem>>, vector<16xi32>,
      tpu.vector_store %arg8[%swap3A_563], %broadcast_in_dim3A_3 {strides = array<i32>} : memref<1024xi32, #tpu.memory_space<vmem>>, vector<16xi32>,
      %swap3A_565 = arith.constant 16 : index
      %swap3A_566 = tpu.vector_load %arg8[%swap3A_565] {strides = array<i32>} : memref<1024xi32, #tpu.memory_space<vmem>>, vector<16xi32>,
      tpu.vector_store %arg8[%swap3A_565], %broadcast_in_dim3A_3 {strides = array<i32>} : memref<1024xi32, #tpu.memory_space<vmem>>, vector<16xi32>,
      %swap3A_567 = arith.constant 32 : index
      %swap3A_568 = tpu.vector_load %arg8[%swap3A_567] {strides = array<i32>} : memref<1024xi32, #tpu.memory_space<vmem>>, vector<16xi32>,
      tpu.vector_store %arg8[%swap3A_567], %broadcast_in_dim3A_3 {strides = array<i32>} : memref<1024xi32, #tpu.memory_space<vmem>>, vector<16xi32>,
      %swap3A_569 = arith.constant 48 : index
      %swap3A_570 = tpu.vector_load %arg8[%swap3A_569] {strides = array<i32>} : memref<1024xi32, #tpu.memory_space<vmem>>, vector<16xi32>,
      tpu.vector_store %arg8[%swap3A_569], %broadcast_in_dim3A_3 {strides = array<i32>} : memref<1024xi32, #tpu.memory_space<vmem>>, vector<16xi32>,
      %broadcast_in_dim3A_571 = arith.constant 0 : i32
      %broadcast_in_dim3A_572 = vector.broadcast %broadcast_in_dim3A_571 : i32 to vector<16xi32>
      %scan3A_573 = arith.constant 0 : i32
      %scan3A_574 = arith.constant 64 : i32
      %scan3A_575 = arith.addi %scan3A_573, %scan3A_574 : i32
      %scan3A_576 = arith.constant 1 : i32
      %scan3A_577 = scf.for %scan3A_749 = %scan3A_573 to %scan3A_575 step %scan3A_576 iter_args(%scan3A_750 = %broadcast_in_dim3A_572) -> (vector<16xi32>)  : i32 {
        %mul3A_751 = arith.constant 16 : i32
        %mul3A_752 = arith.muli %scan3A_749, %mul3A_751 : i32
        %add3A_753 = arith.constant 6144 : i32
        %add3A_754 = arith.addi %add3A_753, %mul3A_752 : i32
        %get3A_755 = arith.index_cast %add3A_754 : i32 to index
        %get3A_756 = tpu.vector_load %arg6[%get3A_755] {strides = array<i32>} : memref<8192xf32, #tpu.memory_space<vmem>>, vector<16xf32>,
        %lt3A_757 = arith.cmpf olt, %get3A_756, %gather3A_562 : vector<16xf32>
        %all_reduce_population_count3A = tpu.all_reduce %lt3A_757 {dim = 0 : i64, kind = #tpu.reduction_kind<sum>} : vector<16xi1> -> vector<16xi32>
        %convert_element_type3A = arith.extui %lt3A_757 : vector<16xi1> to vector<16xi32>
        %broadcast_in_dim3A_758 = arith.constant true
        %broadcast_in_dim3A_759 = vector.broadcast %broadcast_in_dim3A_758 : i1 to vector<16xi1>
        %masked_cumsum3A = tpu.scan <sum>, %convert_element_type3A masked %broadcast_in_dim3A_759 : vector<16xi32>, vector<16xi1> -> vector<16xi32>
        %sub3A = arith.subi %masked_cumsum3A, %convert_element_type3A : vector<16xi32>
        %add3A_760 = arith.addi %sub3A, %scan3A_750 : vector<16xi32>
        %mul3A_761 = arith.constant 16 : i32
        %mul3A_762 = arith.muli %scan3A_749, %mul3A_761 : i32
        %add3A_763 = vector.broadcast %mul3A_762 : i32 to vector<16xi32>
        %add3A_764 = arith.addi %iota3A, %add3A_763 : vector<16xi32>
        tpu.vector_store_idx %arg8[%add3A_760], %add3A_764 masked %lt3A_757 : memref<1024xi32, #tpu.memory_space<vmem>>[vector<16xi32>], vector<16xi32>, vector<16xi1>
        %add3A_765 = arith.addi %scan3A_750, %all_reduce_population_count3A : vector<16xi32>
        scf.yield %add3A_765 : vector<16xi32>
      }
      %scan3A_578 = arith.constant 64 : i32
      %scan3A_579 = arith.constant 0 : i32
      %scan3A_580 = arith.constant 64 : i32
      %scan3A_581 = arith.addi %scan3A_579, %scan3A_580 : i32
      %scan3A_582 = arith.constant 1 : i32
      %scan3A_583 = scf.for %scan3A_749 = %scan3A_579 to %scan3A_581 step %scan3A_582 iter_args(%scan3A_750 = %scan3A_577) -> (vector<16xi32>)  : i32 {
        %mul3A_751 = arith.constant 16 : i32
        %mul3A_752 = arith.muli %scan3A_749, %mul3A_751 : i32
        %add3A_753 = arith.constant 6144 : i32
        %add3A_754 = arith.addi %add3A_753, %mul3A_752 : i32
        %get3A_755 = arith.index_cast %add3A_754 : i32 to index
        %get3A_756 = tpu.vector_load %arg6[%get3A_755] {strides = array<i32>} : memref<8192xf32, #tpu.memory_space<vmem>>, vector<16xf32>,
        %eq3A = arith.cmpf oeq, %get3A_756, %gather3A_562 : vector<16xf32>
        %all_reduce_population_count3A = tpu.all_reduce %eq3A {dim = 0 : i64, kind = #tpu.reduction_kind<sum>} : vector<16xi1> -> vector<16xi32>
        %convert_element_type3A = arith.extui %eq3A : vector<16xi1> to vector<16xi32>
        %broadcast_in_dim3A_757 = arith.constant true
        %broadcast_in_dim3A_758 = vector.broadcast %broadcast_in_dim3A_757 : i1 to vector<16xi1>
        %masked_cumsum3A = tpu.scan <sum>, %convert_element_type3A masked %broadcast_in_dim3A_758 : vector<16xi32>, vector<16xi1> -> vector<16xi32>
        %sub3A = arith.subi %masked_cumsum3A, %convert_element_type3A : vector<16xi32>
        %add3A_759 = arith.addi %sub3A, %scan3A_750 : vector<16xi32>
        %mul3A_760 = arith.constant 16 : i32
        %mul3A_761 = arith.muli %scan3A_749, %mul3A_760 : i32
        %add3A_762 = vector.broadcast %mul3A_761 : i32 to vector<16xi32>
        %add3A_763 = arith.addi %iota3A, %add3A_762 : vector<16xi32>
        tpu.vector_store_idx %arg8[%add3A_759], %add3A_763 masked %eq3A : memref<1024xi32, #tpu.memory_space<vmem>>[vector<16xi32>], vector<16xi32>, vector<16xi1>
        %add3A_764 = arith.addi %scan3A_750, %all_reduce_population_count3A : vector<16xi32>
        scf.yield %add3A_764 : vector<16xi32>
      }
      %scan3A_584 = arith.constant 64 : i32
      %min3A_585 = arith.constant 64 : i32
      %min3A_586 = vector.broadcast %min3A_585 : i32 to vector<16xi32>
      %min3A_587 = arith.minsi %scan3A_583, %min3A_586 : vector<16xi32>
      %add3A_588 = arith.constant 0 : i32
      %add3A_589 = vector.broadcast %add3A_588 : i32 to vector<16xi32>
      %add3A_590 = arith.addi %iota3A, %add3A_589 : vector<16xi32>
      %lt3A_591 = arith.cmpi slt, %add3A_590, %min3A_587 : vector<16xi32>
      %jit3A_592 = arith.constant 1.000000e+00 : f32
      %jit3A_593 = arith.constant 0.000000e+00 : f32
      %broadcast_in_dim3A_594 = vector.broadcast %jit3A_592 : f32 to vector<16xf32>
      %broadcast_in_dim3A_595 = vector.broadcast %jit3A_593 : f32 to vector<16xf32>
      %select_n3A_596 = arith.select %lt3A_591, %broadcast_in_dim3A_594, %broadcast_in_dim3A_595 : vector<16xi1>, vector<16xf32>
      %swap3A_597 = arith.constant 384 : index
      %swap3A_598 = tpu.vector_load %arg10[%swap3A_597] {strides = array<i32>} : memref<512xf32, #tpu.memory_space<vmem>>, vector<16xf32>,
      tpu.vector_store %arg10[%swap3A_597], %select_n3A_596 {strides = array<i32>} : memref<512xf32, #tpu.memory_space<vmem>>, vector<16xf32>,
      %get3A_599 = arith.constant 0 : index
      %get3A_600 = tpu.vector_load %arg8[%get3A_599] {strides = array<i32>} : memref<1024xi32, #tpu.memory_space<vmem>>, vector<16xi32>,
      %swap3A_601 = arith.constant 384 : index
      %swap3A_602 = tpu.vector_load %arg9[%swap3A_601] {strides = array<i32>} : memref<512xi32, #tpu.memory_space<vmem>>, vector<16xi32>,
      tpu.vector_store %arg9[%swap3A_601], %get3A_600 {strides = array<i32>} : memref<512xi32, #tpu.memory_space<vmem>>, vector<16xi32>,
      %add3A_603 = arith.constant 16 : i32
      %add3A_604 = vector.broadcast %add3A_603 : i32 to vector<16xi32>
      %add3A_605 = arith.addi %iota3A, %add3A_604 : vector<16xi32>
      %lt3A_606 = arith.cmpi slt, %add3A_605, %min3A_587 : vector<16xi32>
      %jit3A_607 = arith.constant 1.000000e+00 : f32
      %jit3A_608 = arith.constant 0.000000e+00 : f32
      %broadcast_in_dim3A_609 = vector.broadcast %jit3A_607 : f32 to vector<16xf32>
      %broadcast_in_dim3A_610 = vector.broadcast %jit3A_608 : f32 to vector<16xf32>
      %select_n3A_611 = arith.select %lt3A_606, %broadcast_in_dim3A_609, %broadcast_in_dim3A_610 : vector<16xi1>, vector<16xf32>
      %swap3A_612 = arith.constant 400 : index
      %swap3A_613 = tpu.vector_load %arg10[%swap3A_612] {strides = array<i32>} : memref<512xf32, #tpu.memory_space<vmem>>, vector<16xf32>,
      tpu.vector_store %arg10[%swap3A_612], %select_n3A_611 {strides = array<i32>} : memref<512xf32, #tpu.memory_space<vmem>>, vector<16xf32>,
      %get3A_614 = arith.constant 16 : index
      %get3A_615 = tpu.vector_load %arg8[%get3A_614] {strides = array<i32>} : memref<1024xi32, #tpu.memory_space<vmem>>, vector<16xi32>,
      %swap3A_616 = arith.constant 400 : index
      %swap3A_617 = tpu.vector_load %arg9[%swap3A_616] {strides = array<i32>} : memref<512xi32, #tpu.memory_space<vmem>>, vector<16xi32>,
      tpu.vector_store %arg9[%swap3A_616], %get3A_615 {strides = array<i32>} : memref<512xi32, #tpu.memory_space<vmem>>, vector<16xi32>,
      %add3A_618 = arith.constant 32 : i32
      %add3A_619 = vector.broadcast %add3A_618 : i32 to vector<16xi32>
      %add3A_620 = arith.addi %iota3A, %add3A_619 : vector<16xi32>
      %lt3A_621 = arith.cmpi slt, %add3A_620, %min3A_587 : vector<16xi32>
      %jit3A_622 = arith.constant 1.000000e+00 : f32
      %jit3A_623 = arith.constant 0.000000e+00 : f32
      %broadcast_in_dim3A_624 = vector.broadcast %jit3A_622 : f32 to vector<16xf32>
      %broadcast_in_dim3A_625 = vector.broadcast %jit3A_623 : f32 to vector<16xf32>
      %select_n3A_626 = arith.select %lt3A_621, %broadcast_in_dim3A_624, %broadcast_in_dim3A_625 : vector<16xi1>, vector<16xf32>
      %swap3A_627 = arith.constant 416 : index
      %swap3A_628 = tpu.vector_load %arg10[%swap3A_627] {strides = array<i32>} : memref<512xf32, #tpu.memory_space<vmem>>, vector<16xf32>,
      tpu.vector_store %arg10[%swap3A_627], %select_n3A_626 {strides = array<i32>} : memref<512xf32, #tpu.memory_space<vmem>>, vector<16xf32>,
      %get3A_629 = arith.constant 32 : index
      %get3A_630 = tpu.vector_load %arg8[%get3A_629] {strides = array<i32>} : memref<1024xi32, #tpu.memory_space<vmem>>, vector<16xi32>,
      %swap3A_631 = arith.constant 416 : index
      %swap3A_632 = tpu.vector_load %arg9[%swap3A_631] {strides = array<i32>} : memref<512xi32, #tpu.memory_space<vmem>>, vector<16xi32>,
      tpu.vector_store %arg9[%swap3A_631], %get3A_630 {strides = array<i32>} : memref<512xi32, #tpu.memory_space<vmem>>, vector<16xi32>,
      %add3A_633 = arith.constant 48 : i32
      %add3A_634 = vector.broadcast %add3A_633 : i32 to vector<16xi32>
      %add3A_635 = arith.addi %iota3A, %add3A_634 : vector<16xi32>
      %lt3A_636 = arith.cmpi slt, %add3A_635, %min3A_587 : vector<16xi32>
      %jit3A_637 = arith.constant 1.000000e+00 : f32
      %jit3A_638 = arith.constant 0.000000e+00 : f32
      %broadcast_in_dim3A_639 = vector.broadcast %jit3A_637 : f32 to vector<16xf32>
      %broadcast_in_dim3A_640 = vector.broadcast %jit3A_638 : f32 to vector<16xf32>
      %select_n3A_641 = arith.select %lt3A_636, %broadcast_in_dim3A_639, %broadcast_in_dim3A_640 : vector<16xi1>, vector<16xf32>
      %swap3A_642 = arith.constant 432 : index
      %swap3A_643 = tpu.vector_load %arg10[%swap3A_642] {strides = array<i32>} : memref<512xf32, #tpu.memory_space<vmem>>, vector<16xf32>,
      tpu.vector_store %arg10[%swap3A_642], %select_n3A_641 {strides = array<i32>} : memref<512xf32, #tpu.memory_space<vmem>>, vector<16xf32>,
      %get3A_644 = arith.constant 48 : index
      %get3A_645 = tpu.vector_load %arg8[%get3A_644] {strides = array<i32>} : memref<1024xi32, #tpu.memory_space<vmem>>, vector<16xi32>,
      %swap3A_646 = arith.constant 432 : index
      %swap3A_647 = tpu.vector_load %arg9[%swap3A_646] {strides = array<i32>} : memref<512xi32, #tpu.memory_space<vmem>>, vector<16xi32>,
      tpu.vector_store %arg9[%swap3A_646], %get3A_645 {strides = array<i32>} : memref<512xi32, #tpu.memory_space<vmem>>, vector<16xi32>,
      %mul3A_648 = arith.constant 8 : i32
      %mul3A_649 = arith.muli %add3A_12, %mul3A_648 : i32
      %add3A_650 = arith.constant 7 : i32
      %add3A_651 = arith.addi %mul3A_649, %add3A_650 : i32
      %broadcast_in_dim3A_652 = vector.broadcast %add3A_651 : i32 to vector<16xi32>
      %gather3A_653 = tpu.vector_load_idx %arg7[%broadcast_in_dim3A_652] : memref<64xf32, #tpu.memory_space<vmem>>[vector<16xi32>], vector<16xf32>,
      %swap3A_654 = arith.constant 0 : index
      %swap3A_655 = tpu.vector_load %arg8[%swap3A_654] {strides = array<i32>} : memref<1024xi32, #tpu.memory_space<vmem>>, vector<16xi32>,
      tpu.vector_store %arg8[%swap3A_654], %broadcast_in_dim3A_3 {strides = array<i32>} : memref<1024xi32, #tpu.memory_space<vmem>>, vector<16xi32>,
      %swap3A_656 = arith.constant 16 : index
      %swap3A_657 = tpu.vector_load %arg8[%swap3A_656] {strides = array<i32>} : memref<1024xi32, #tpu.memory_space<vmem>>, vector<16xi32>,
      tpu.vector_store %arg8[%swap3A_656], %broadcast_in_dim3A_3 {strides = array<i32>} : memref<1024xi32, #tpu.memory_space<vmem>>, vector<16xi32>,
      %swap3A_658 = arith.constant 32 : index
      %swap3A_659 = tpu.vector_load %arg8[%swap3A_658] {strides = array<i32>} : memref<1024xi32, #tpu.memory_space<vmem>>, vector<16xi32>,
      tpu.vector_store %arg8[%swap3A_658], %broadcast_in_dim3A_3 {strides = array<i32>} : memref<1024xi32, #tpu.memory_space<vmem>>, vector<16xi32>,
      %swap3A_660 = arith.constant 48 : index
      %swap3A_661 = tpu.vector_load %arg8[%swap3A_660] {strides = array<i32>} : memref<1024xi32, #tpu.memory_space<vmem>>, vector<16xi32>,
      tpu.vector_store %arg8[%swap3A_660], %broadcast_in_dim3A_3 {strides = array<i32>} : memref<1024xi32, #tpu.memory_space<vmem>>, vector<16xi32>,
      %broadcast_in_dim3A_662 = arith.constant 0 : i32
      %broadcast_in_dim3A_663 = vector.broadcast %broadcast_in_dim3A_662 : i32 to vector<16xi32>
      %scan3A_664 = arith.constant 0 : i32
      %scan3A_665 = arith.constant 64 : i32
      %scan3A_666 = arith.addi %scan3A_664, %scan3A_665 : i32
      %scan3A_667 = arith.constant 1 : i32
      %scan3A_668 = scf.for %scan3A_749 = %scan3A_664 to %scan3A_666 step %scan3A_667 iter_args(%scan3A_750 = %broadcast_in_dim3A_663) -> (vector<16xi32>)  : i32 {
        %mul3A_751 = arith.constant 16 : i32
        %mul3A_752 = arith.muli %scan3A_749, %mul3A_751 : i32
        %add3A_753 = arith.constant 7168 : i32
        %add3A_754 = arith.addi %add3A_753, %mul3A_752 : i32
        %get3A_755 = arith.index_cast %add3A_754 : i32 to index
        %get3A_756 = tpu.vector_load %arg6[%get3A_755] {strides = array<i32>} : memref<8192xf32, #tpu.memory_space<vmem>>, vector<16xf32>,
        %lt3A_757 = arith.cmpf olt, %get3A_756, %gather3A_653 : vector<16xf32>
        %all_reduce_population_count3A = tpu.all_reduce %lt3A_757 {dim = 0 : i64, kind = #tpu.reduction_kind<sum>} : vector<16xi1> -> vector<16xi32>
        %convert_element_type3A = arith.extui %lt3A_757 : vector<16xi1> to vector<16xi32>
        %broadcast_in_dim3A_758 = arith.constant true
        %broadcast_in_dim3A_759 = vector.broadcast %broadcast_in_dim3A_758 : i1 to vector<16xi1>
        %masked_cumsum3A = tpu.scan <sum>, %convert_element_type3A masked %broadcast_in_dim3A_759 : vector<16xi32>, vector<16xi1> -> vector<16xi32>
        %sub3A = arith.subi %masked_cumsum3A, %convert_element_type3A : vector<16xi32>
        %add3A_760 = arith.addi %sub3A, %scan3A_750 : vector<16xi32>
        %mul3A_761 = arith.constant 16 : i32
        %mul3A_762 = arith.muli %scan3A_749, %mul3A_761 : i32
        %add3A_763 = vector.broadcast %mul3A_762 : i32 to vector<16xi32>
        %add3A_764 = arith.addi %iota3A, %add3A_763 : vector<16xi32>
        tpu.vector_store_idx %arg8[%add3A_760], %add3A_764 masked %lt3A_757 : memref<1024xi32, #tpu.memory_space<vmem>>[vector<16xi32>], vector<16xi32>, vector<16xi1>
        %add3A_765 = arith.addi %scan3A_750, %all_reduce_population_count3A : vector<16xi32>
        scf.yield %add3A_765 : vector<16xi32>
      }
      %scan3A_669 = arith.constant 64 : i32
      %scan3A_670 = arith.constant 0 : i32
      %scan3A_671 = arith.constant 64 : i32
      %scan3A_672 = arith.addi %scan3A_670, %scan3A_671 : i32
      %scan3A_673 = arith.constant 1 : i32
      %scan3A_674 = scf.for %scan3A_749 = %scan3A_670 to %scan3A_672 step %scan3A_673 iter_args(%scan3A_750 = %scan3A_668) -> (vector<16xi32>)  : i32 {
        %mul3A_751 = arith.constant 16 : i32
        %mul3A_752 = arith.muli %scan3A_749, %mul3A_751 : i32
        %add3A_753 = arith.constant 7168 : i32
        %add3A_754 = arith.addi %add3A_753, %mul3A_752 : i32
        %get3A_755 = arith.index_cast %add3A_754 : i32 to index
        %get3A_756 = tpu.vector_load %arg6[%get3A_755] {strides = array<i32>} : memref<8192xf32, #tpu.memory_space<vmem>>, vector<16xf32>,
        %eq3A = arith.cmpf oeq, %get3A_756, %gather3A_653 : vector<16xf32>
        %all_reduce_population_count3A = tpu.all_reduce %eq3A {dim = 0 : i64, kind = #tpu.reduction_kind<sum>} : vector<16xi1> -> vector<16xi32>
        %convert_element_type3A = arith.extui %eq3A : vector<16xi1> to vector<16xi32>
        %broadcast_in_dim3A_757 = arith.constant true
        %broadcast_in_dim3A_758 = vector.broadcast %broadcast_in_dim3A_757 : i1 to vector<16xi1>
        %masked_cumsum3A = tpu.scan <sum>, %convert_element_type3A masked %broadcast_in_dim3A_758 : vector<16xi32>, vector<16xi1> -> vector<16xi32>
        %sub3A = arith.subi %masked_cumsum3A, %convert_element_type3A : vector<16xi32>
        %add3A_759 = arith.addi %sub3A, %scan3A_750 : vector<16xi32>
        %mul3A_760 = arith.constant 16 : i32
        %mul3A_761 = arith.muli %scan3A_749, %mul3A_760 : i32
        %add3A_762 = vector.broadcast %mul3A_761 : i32 to vector<16xi32>
        %add3A_763 = arith.addi %iota3A, %add3A_762 : vector<16xi32>
        tpu.vector_store_idx %arg8[%add3A_759], %add3A_763 masked %eq3A : memref<1024xi32, #tpu.memory_space<vmem>>[vector<16xi32>], vector<16xi32>, vector<16xi1>
        %add3A_764 = arith.addi %scan3A_750, %all_reduce_population_count3A : vector<16xi32>
        scf.yield %add3A_764 : vector<16xi32>
      }
      %scan3A_675 = arith.constant 64 : i32
      %min3A_676 = arith.constant 64 : i32
      %min3A_677 = vector.broadcast %min3A_676 : i32 to vector<16xi32>
      %min3A_678 = arith.minsi %scan3A_674, %min3A_677 : vector<16xi32>
      %add3A_679 = arith.constant 0 : i32
      %add3A_680 = vector.broadcast %add3A_679 : i32 to vector<16xi32>
      %add3A_681 = arith.addi %iota3A, %add3A_680 : vector<16xi32>
      %lt3A_682 = arith.cmpi slt, %add3A_681, %min3A_678 : vector<16xi32>
      %jit3A_683 = arith.constant 1.000000e+00 : f32
      %jit3A_684 = arith.constant 0.000000e+00 : f32
      %broadcast_in_dim3A_685 = vector.broadcast %jit3A_683 : f32 to vector<16xf32>
      %broadcast_in_dim3A_686 = vector.broadcast %jit3A_684 : f32 to vector<16xf32>
      %select_n3A_687 = arith.select %lt3A_682, %broadcast_in_dim3A_685, %broadcast_in_dim3A_686 : vector<16xi1>, vector<16xf32>
      %swap3A_688 = arith.constant 448 : index
      %swap3A_689 = tpu.vector_load %arg10[%swap3A_688] {strides = array<i32>} : memref<512xf32, #tpu.memory_space<vmem>>, vector<16xf32>,
      tpu.vector_store %arg10[%swap3A_688], %select_n3A_687 {strides = array<i32>} : memref<512xf32, #tpu.memory_space<vmem>>, vector<16xf32>,
      %get3A_690 = arith.constant 0 : index
      %get3A_691 = tpu.vector_load %arg8[%get3A_690] {strides = array<i32>} : memref<1024xi32, #tpu.memory_space<vmem>>, vector<16xi32>,
      %swap3A_692 = arith.constant 448 : index
      %swap3A_693 = tpu.vector_load %arg9[%swap3A_692] {strides = array<i32>} : memref<512xi32, #tpu.memory_space<vmem>>, vector<16xi32>,
      tpu.vector_store %arg9[%swap3A_692], %get3A_691 {strides = array<i32>} : memref<512xi32, #tpu.memory_space<vmem>>, vector<16xi32>,
      %add3A_694 = arith.constant 16 : i32
      %add3A_695 = vector.broadcast %add3A_694 : i32 to vector<16xi32>
      %add3A_696 = arith.addi %iota3A, %add3A_695 : vector<16xi32>
      %lt3A_697 = arith.cmpi slt, %add3A_696, %min3A_678 : vector<16xi32>
      %jit3A_698 = arith.constant 1.000000e+00 : f32
      %jit3A_699 = arith.constant 0.000000e+00 : f32
      %broadcast_in_dim3A_700 = vector.broadcast %jit3A_698 : f32 to vector<16xf32>
      %broadcast_in_dim3A_701 = vector.broadcast %jit3A_699 : f32 to vector<16xf32>
      %select_n3A_702 = arith.select %lt3A_697, %broadcast_in_dim3A_700, %broadcast_in_dim3A_701 : vector<16xi1>, vector<16xf32>
      %swap3A_703 = arith.constant 464 : index
      %swap3A_704 = tpu.vector_load %arg10[%swap3A_703] {strides = array<i32>} : memref<512xf32, #tpu.memory_space<vmem>>, vector<16xf32>,
      tpu.vector_store %arg10[%swap3A_703], %select_n3A_702 {strides = array<i32>} : memref<512xf32, #tpu.memory_space<vmem>>, vector<16xf32>,
      %get3A_705 = arith.constant 16 : index
      %get3A_706 = tpu.vector_load %arg8[%get3A_705] {strides = array<i32>} : memref<1024xi32, #tpu.memory_space<vmem>>, vector<16xi32>,
      %swap3A_707 = arith.constant 464 : index
      %swap3A_708 = tpu.vector_load %arg9[%swap3A_707] {strides = array<i32>} : memref<512xi32, #tpu.memory_space<vmem>>, vector<16xi32>,
      tpu.vector_store %arg9[%swap3A_707], %get3A_706 {strides = array<i32>} : memref<512xi32, #tpu.memory_space<vmem>>, vector<16xi32>,
      %add3A_709 = arith.constant 32 : i32
      %add3A_710 = vector.broadcast %add3A_709 : i32 to vector<16xi32>
      %add3A_711 = arith.addi %iota3A, %add3A_710 : vector<16xi32>
      %lt3A_712 = arith.cmpi slt, %add3A_711, %min3A_678 : vector<16xi32>
      %jit3A_713 = arith.constant 1.000000e+00 : f32
      %jit3A_714 = arith.constant 0.000000e+00 : f32
      %broadcast_in_dim3A_715 = vector.broadcast %jit3A_713 : f32 to vector<16xf32>
      %broadcast_in_dim3A_716 = vector.broadcast %jit3A_714 : f32 to vector<16xf32>
      %select_n3A_717 = arith.select %lt3A_712, %broadcast_in_dim3A_715, %broadcast_in_dim3A_716 : vector<16xi1>, vector<16xf32>
      %swap3A_718 = arith.constant 480 : index
      %swap3A_719 = tpu.vector_load %arg10[%swap3A_718] {strides = array<i32>} : memref<512xf32, #tpu.memory_space<vmem>>, vector<16xf32>,
      tpu.vector_store %arg10[%swap3A_718], %select_n3A_717 {strides = array<i32>} : memref<512xf32, #tpu.memory_space<vmem>>, vector<16xf32>,
      %get3A_720 = arith.constant 32 : index
      %get3A_721 = tpu.vector_load %arg8[%get3A_720] {strides = array<i32>} : memref<1024xi32, #tpu.memory_space<vmem>>, vector<16xi32>,
      %swap3A_722 = arith.constant 480 : index
      %swap3A_723 = tpu.vector_load %arg9[%swap3A_722] {strides = array<i32>} : memref<512xi32, #tpu.memory_space<vmem>>, vector<16xi32>,
      tpu.vector_store %arg9[%swap3A_722], %get3A_721 {strides = array<i32>} : memref<512xi32, #tpu.memory_space<vmem>>, vector<16xi32>,
      %add3A_724 = arith.constant 48 : i32
      %add3A_725 = vector.broadcast %add3A_724 : i32 to vector<16xi32>
      %add3A_726 = arith.addi %iota3A, %add3A_725 : vector<16xi32>
      %lt3A_727 = arith.cmpi slt, %add3A_726, %min3A_678 : vector<16xi32>
      %jit3A_728 = arith.constant 1.000000e+00 : f32
      %jit3A_729 = arith.constant 0.000000e+00 : f32
      %broadcast_in_dim3A_730 = vector.broadcast %jit3A_728 : f32 to vector<16xf32>
      %broadcast_in_dim3A_731 = vector.broadcast %jit3A_729 : f32 to vector<16xf32>
      %select_n3A_732 = arith.select %lt3A_727, %broadcast_in_dim3A_730, %broadcast_in_dim3A_731 : vector<16xi1>, vector<16xf32>
      %swap3A_733 = arith.constant 496 : index
      %swap3A_734 = tpu.vector_load %arg10[%swap3A_733] {strides = array<i32>} : memref<512xf32, #tpu.memory_space<vmem>>, vector<16xf32>,
      tpu.vector_store %arg10[%swap3A_733], %select_n3A_732 {strides = array<i32>} : memref<512xf32, #tpu.memory_space<vmem>>, vector<16xf32>,
      %get3A_735 = arith.constant 48 : index
      %get3A_736 = tpu.vector_load %arg8[%get3A_735] {strides = array<i32>} : memref<1024xi32, #tpu.memory_space<vmem>>, vector<16xi32>,
      %swap3A_737 = arith.constant 496 : index
      %swap3A_738 = tpu.vector_load %arg9[%swap3A_737] {strides = array<i32>} : memref<512xi32, #tpu.memory_space<vmem>>, vector<16xi32>,
      tpu.vector_store %arg9[%swap3A_737], %get3A_736 {strides = array<i32>} : memref<512xi32, #tpu.memory_space<vmem>>, vector<16xi32>,
      %mul3A_739 = arith.constant 8 : i32
      %mul3A_740 = arith.muli %add3A_12, %mul3A_739 : i32
      %add3A_741 = arith.addi %mul3A_2, %mul3A_740 : i32
      %mul3A_742 = arith.constant 64 : i32
      %mul3A_743 = arith.muli %add3A_741, %mul3A_742 : i32
      "tpu.region"() ({
        %run_scoped3A = tpu.sem_alloc : memref<!tpu.dma_semaphore, #tpu.memory_space<semaphore_mem>>
        %dma_start3A = tpu.memref_slice %arg4[%mul3A_743] : memref<131072xi32, #tpu.memory_space<hbm>> -> memref<512xi32, #tpu.memory_space<hbm>>
        %dma_start3A_749 = tpu.memref_slice %arg4[%mul3A_743] : memref<131072xi32, #tpu.memory_space<hbm>> -> memref<512xi32, #tpu.memory_space<hbm>>
        tpu.enqueue_dma source(%arg9 : memref<512xi32, #tpu.memory_space<vmem>>) target(%dma_start3A_749 : memref<512xi32, #tpu.memory_space<hbm>>) target_semaphore(%run_scoped3A : memref<!tpu.dma_semaphore, #tpu.memory_space<semaphore_mem>>)
        %dma_wait3A = tpu.memref_slice %arg4[%mul3A_743] : memref<131072xi32, #tpu.memory_space<hbm>> -> memref<512xi32, #tpu.memory_space<hbm>>
        %dma_wait3A_750 = tpu.memref_slice %arg4[%mul3A_743] : memref<131072xi32, #tpu.memory_space<hbm>> -> memref<512xi32, #tpu.memory_space<hbm>>
        tpu.wait_dma2 semaphore(%run_scoped3A : memref<!tpu.dma_semaphore, #tpu.memory_space<semaphore_mem>>) src(%arg9 : memref<512xi32, #tpu.memory_space<vmem>>) dst(%dma_wait3A_750 : memref<512xi32, #tpu.memory_space<hbm>>)
        tpu.yield
      }) : () -> ()
      %mul3A_744 = arith.constant 8 : i32
      %mul3A_745 = arith.muli %add3A_12, %mul3A_744 : i32
      %add3A_746 = arith.addi %mul3A_2, %mul3A_745 : i32
      %mul3A_747 = arith.constant 64 : i32
      %mul3A_748 = arith.muli %add3A_746, %mul3A_747 : i32
      "tpu.region"() ({
        %run_scoped3A = tpu.sem_alloc : memref<!tpu.dma_semaphore, #tpu.memory_space<semaphore_mem>>
        %dma_start3A = tpu.memref_slice %arg5[%mul3A_748] : memref<131072xf32, #tpu.memory_space<hbm>> -> memref<512xf32, #tpu.memory_space<hbm>>
        %dma_start3A_749 = tpu.memref_slice %arg5[%mul3A_748] : memref<131072xf32, #tpu.memory_space<hbm>> -> memref<512xf32, #tpu.memory_space<hbm>>
        tpu.enqueue_dma source(%arg10 : memref<512xf32, #tpu.memory_space<vmem>>) target(%dma_start3A_749 : memref<512xf32, #tpu.memory_space<hbm>>) target_semaphore(%run_scoped3A : memref<!tpu.dma_semaphore, #tpu.memory_space<semaphore_mem>>)
        %dma_wait3A = tpu.memref_slice %arg5[%mul3A_748] : memref<131072xf32, #tpu.memory_space<hbm>> -> memref<512xf32, #tpu.memory_space<hbm>>
        %dma_wait3A_750 = tpu.memref_slice %arg5[%mul3A_748] : memref<131072xf32, #tpu.memory_space<hbm>> -> memref<512xf32, #tpu.memory_space<hbm>>
        tpu.wait_dma2 semaphore(%run_scoped3A : memref<!tpu.dma_semaphore, #tpu.memory_space<semaphore_mem>>) src(%arg10 : memref<512xf32, #tpu.memory_space<vmem>>) dst(%dma_wait3A_750 : memref<512xf32, #tpu.memory_space<hbm>>)
        tpu.yield
      }) : () -> ()
    }
    %scan3A_7 = arith.constant 8 : i32
    return
  }
}

module attributes {stable_mosaic.version = 14 : i64} {
  func.func @_fps_kernel(%arg0: memref<4x1024xf32, #tpu.memory_space<vmem>>, %arg1: memref<4x1024xf32, #tpu.memory_space<vmem>>, %arg2: memref<4x1024xf32, #tpu.memory_space<vmem>>, %arg3: memref<4x512xi32, #tpu.memory_space<vmem>>) attributes {dimension_semantics = [], scalar_prefetch = 0 : i64, scratch_operands = 0 : i64, tpu.core_type = #tpu.core_type<tc>} {
    %get3A = arith.constant 0 : index
    %get3A_0 = arith.constant 0 : index
    %get3A_1 = vector.load %arg0[%get3A, %get3A_0] : memref<4x1024xf32, #tpu.memory_space<vmem>>, vector<4x1024xf32>
    %get3A_2 = arith.constant 0 : index
    %get3A_3 = arith.constant 0 : index
    %get3A_4 = vector.load %arg1[%get3A_2, %get3A_3] : memref<4x1024xf32, #tpu.memory_space<vmem>>, vector<4x1024xf32>
    %get3A_5 = arith.constant 0 : index
    %get3A_6 = arith.constant 0 : index
    %get3A_7 = vector.load %arg2[%get3A_5, %get3A_6] : memref<4x1024xf32, #tpu.memory_space<vmem>>, vector<4x1024xf32>
    %iota3A = tpu.iota {dimensions = array<i32: 1>} : vector<4x1024xi32>
    %iota3A_8 = tpu.iota {dimensions = array<i32: 1>} : vector<1x512xi32>
    %broadcast_in_dim3A = arith.constant 0x7F800000 : f32
    %broadcast_in_dim3A_9 = vector.broadcast %broadcast_in_dim3A : f32 to vector<4x1024xf32>
    %broadcast_in_dim3A_10 = arith.constant 0 : i32
    %broadcast_in_dim3A_11 = vector.broadcast %broadcast_in_dim3A_10 : i32 to vector<4x1xi32>
    %broadcast_in_dim3A_12 = arith.constant 0.000000e+00 : f32
    %broadcast_in_dim3A_13 = vector.broadcast %broadcast_in_dim3A_12 : f32 to vector<4x512xf32>
    %scan3A = arith.constant 0 : i32
    %scan3A_14 = arith.constant 512 : i32
    %scan3A_15 = arith.addi %scan3A, %scan3A_14 : i32
    %scan3A_16 = arith.constant 1 : i32
    %scan3A_17:3 = scf.for %scan3A_21 = %scan3A to %scan3A_15 step %scan3A_16 iter_args(%scan3A_22 = %broadcast_in_dim3A_9, %scan3A_23 = %broadcast_in_dim3A_11, %scan3A_24 = %broadcast_in_dim3A_13) -> (vector<4x1024xf32>, vector<4x1xi32>, vector<4x512xf32>)  : i32 {
      %eq3A = vector.broadcast %scan3A_21 : i32 to vector<1x512xi32>
      %eq3A_25 = arith.cmpi eq, %iota3A_8, %eq3A : vector<1x512xi32>
      %convert_element_type3A_26 = arith.extui %eq3A_25 : vector<1x512xi1> to vector<1x512xi32>
      %convert_element_type3A_27 = arith.sitofp %convert_element_type3A_26 : vector<1x512xi32> to vector<1x512xf32>
      %convert_element_type3A_28 = arith.sitofp %scan3A_23 : vector<4x1xi32> to vector<4x1xf32>
      %dot_general3A = arith.constant dense<0.000000e+00> : vector<4x512xf32>
      %dot_general3A_29 = tpu.matmul %convert_element_type3A_28, %convert_element_type3A_27, %dot_general3A {dimension_numbers = #tpu.dot_dimension_numbers<[1], [0], [0], [1], [0, 0, 1, 1], [], []>, precision = #tpu.contract_precision<fp32>, transpose_lhs_hint = false} : vector<4x1xf32>, vector<1x512xf32>, vector<4x512xf32> -> vector<4x512xf32>
      %add3A = arith.addf %scan3A_24, %dot_general3A_29 : vector<4x512xf32>
      %eq3A_30 = vector.broadcast %scan3A_23 : vector<4x1xi32> to vector<4x1024xi32>
      %eq3A_31 = arith.cmpi eq, %iota3A, %eq3A_30 : vector<4x1024xi32>
      %jit3A = arith.constant 0.000000e+00 : f32
      %broadcast_in_dim3A_32 = vector.broadcast %jit3A : f32 to vector<4x1024xf32>
      %select_n3A = arith.select %eq3A_31, %get3A_1, %broadcast_in_dim3A_32 : vector<4x1024xi1>, vector<4x1024xf32>
      %reduce_sum3A = arith.constant dense<0.000000e+00> : vector<4xf32>
      %reduce_sum3A_33 = vector.multi_reduction <add>, %select_n3A, %reduce_sum3A [1] : vector<4x1024xf32> to vector<4xf32>
      %broadcast_in_dim3A_34 = vector.shape_cast %reduce_sum3A_33 : vector<4xf32> to vector<4x1xf32>
      %jit3A_35 = arith.constant 0.000000e+00 : f32
      %broadcast_in_dim3A_36 = vector.broadcast %jit3A_35 : f32 to vector<4x1024xf32>
      %select_n3A_37 = arith.select %eq3A_31, %get3A_4, %broadcast_in_dim3A_36 : vector<4x1024xi1>, vector<4x1024xf32>
      %reduce_sum3A_38 = arith.constant dense<0.000000e+00> : vector<4xf32>
      %reduce_sum3A_39 = vector.multi_reduction <add>, %select_n3A_37, %reduce_sum3A_38 [1] : vector<4x1024xf32> to vector<4xf32>
      %broadcast_in_dim3A_40 = vector.shape_cast %reduce_sum3A_39 : vector<4xf32> to vector<4x1xf32>
      %jit3A_41 = arith.constant 0.000000e+00 : f32
      %broadcast_in_dim3A_42 = vector.broadcast %jit3A_41 : f32 to vector<4x1024xf32>
      %select_n3A_43 = arith.select %eq3A_31, %get3A_7, %broadcast_in_dim3A_42 : vector<4x1024xi1>, vector<4x1024xf32>
      %reduce_sum3A_44 = arith.constant dense<0.000000e+00> : vector<4xf32>
      %reduce_sum3A_45 = vector.multi_reduction <add>, %select_n3A_43, %reduce_sum3A_44 [1] : vector<4x1024xf32> to vector<4xf32>
      %broadcast_in_dim3A_46 = vector.shape_cast %reduce_sum3A_45 : vector<4xf32> to vector<4x1xf32>
      %sub3A = vector.broadcast %broadcast_in_dim3A_34 : vector<4x1xf32> to vector<4x1024xf32>
      %sub3A_47 = arith.subf %get3A_1, %sub3A : vector<4x1024xf32>
      %sub3A_48 = vector.broadcast %broadcast_in_dim3A_40 : vector<4x1xf32> to vector<4x1024xf32>
      %sub3A_49 = arith.subf %get3A_4, %sub3A_48 : vector<4x1024xf32>
      %sub3A_50 = vector.broadcast %broadcast_in_dim3A_46 : vector<4x1xf32> to vector<4x1024xf32>
      %sub3A_51 = arith.subf %get3A_7, %sub3A_50 : vector<4x1024xf32>
      %mul3A = arith.mulf %sub3A_47, %sub3A_47 : vector<4x1024xf32>
      %mul3A_52 = arith.mulf %sub3A_49, %sub3A_49 : vector<4x1024xf32>
      %add3A_53 = arith.addf %mul3A, %mul3A_52 : vector<4x1024xf32>
      %mul3A_54 = arith.mulf %sub3A_51, %sub3A_51 : vector<4x1024xf32>
      %add3A_55 = arith.addf %add3A_53, %mul3A_54 : vector<4x1024xf32>
      %min3A = arith.minimumf %scan3A_22, %add3A_55 : vector<4x1024xf32>
      %reduce_max3A = arith.constant dense<0xFF800000> : vector<4xf32>
      %reduce_max3A_56 = vector.multi_reduction <maximumf>, %min3A, %reduce_max3A [1] : vector<4x1024xf32> to vector<4xf32>
      %broadcast_in_dim3A_57 = vector.shape_cast %reduce_max3A_56 : vector<4xf32> to vector<4x1xf32>
      %eq3A_58 = vector.broadcast %broadcast_in_dim3A_57 : vector<4x1xf32> to vector<4x1024xf32>
      %eq3A_59 = arith.cmpf oeq, %min3A, %eq3A_58 : vector<4x1024xf32>
      %jit3A_60 = arith.constant 1024 : i32
      %broadcast_in_dim3A_61 = vector.broadcast %jit3A_60 : i32 to vector<4x1024xi32>
      %select_n3A_62 = arith.select %eq3A_59, %iota3A, %broadcast_in_dim3A_61 : vector<4x1024xi1>, vector<4x1024xi32>
      %reduce_min3A = arith.constant dense<2147483647> : vector<4xi32>
      %reduce_min3A_63 = vector.multi_reduction <minsi>, %select_n3A_62, %reduce_min3A [1] : vector<4x1024xi32> to vector<4xi32>
      %broadcast_in_dim3A_64 = vector.shape_cast %reduce_min3A_63 : vector<4xi32> to vector<4x1xi32>
      scf.yield %min3A, %broadcast_in_dim3A_64, %add3A : vector<4x1024xf32>, vector<4x1xi32>, vector<4x512xf32>
    }
    %scan3A_18 = arith.constant 512 : i32
    %convert_element_type3A = arith.fptosi %scan3A_17#2 : vector<4x512xf32> to vector<4x512xi32>
    %swap3A = arith.constant 0 : index
    %swap3A_19 = arith.constant 0 : index
    %swap3A_20 = vector.load %arg3[%swap3A, %swap3A_19] : memref<4x512xi32, #tpu.memory_space<vmem>>, vector<4x512xi32>
    tpu.vector_store %arg3[%swap3A, %swap3A_19], %convert_element_type3A {strides = array<i32>} : memref<4x512xi32, #tpu.memory_space<vmem>>, vector<4x512xi32>,
    return
  }
}

module attributes {stable_mosaic.version = 14 : i64} {
  func.func @_dist_kernel(%arg0: i32, %arg1: memref<1x1x1024xf32, #tpu.memory_space<vmem>>, %arg2: memref<1x1x1024xf32, #tpu.memory_space<vmem>>, %arg3: memref<1x1x1024xf32, #tpu.memory_space<vmem>>, %arg4: memref<1x512x1xi32, #tpu.memory_space<vmem>>, %arg5: memref<1x512x1024xf32, #tpu.memory_space<vmem>>, %arg6: memref<1x512x1xf32, #tpu.memory_space<vmem>>, %arg7: memref<1x512x3xf32, #tpu.memory_space<vmem>>) attributes {dimension_semantics = [#tpu.dimension_semantics<arbitrary>], iteration_bounds = array<i64: 4>, scalar_prefetch = 0 : i64, scratch_operands = 0 : i64, tpu.core_type = #tpu.core_type<tc>, window_params = [{transform_indices = @transform_0, window_bounds = array<i64: 1, 1, 1024>}, {transform_indices = @transform_1, window_bounds = array<i64: 1, 1, 1024>}, {transform_indices = @transform_2, window_bounds = array<i64: 1, 1, 1024>}, {transform_indices = @transform_3, window_bounds = array<i64: 1, 512, 1>}, {transform_indices = @transform_4, window_bounds = array<i64: 1, 512, 1024>}, {transform_indices = @transform_5, window_bounds = array<i64: 1, 512, 1>}, {transform_indices = @transform_6, window_bounds = array<i64: 1, 512, 3>}]} {
    %get3A = arith.constant 0 : index
    %get3A_0 = arith.constant 0 : index
    %get3A_1 = arith.constant 0 : index
    %get3A_2 = vector.load %arg1[%get3A, %get3A_0, %get3A_1] : memref<1x1x1024xf32, #tpu.memory_space<vmem>>, vector<1x1x1024xf32>
    %get3A_3 = vector.shape_cast %get3A_2 : vector<1x1x1024xf32> to vector<1x1024xf32>
    %get3A_4 = arith.constant 0 : index
    %get3A_5 = arith.constant 0 : index
    %get3A_6 = arith.constant 0 : index
    %get3A_7 = vector.load %arg2[%get3A_4, %get3A_5, %get3A_6] : memref<1x1x1024xf32, #tpu.memory_space<vmem>>, vector<1x1x1024xf32>
    %get3A_8 = vector.shape_cast %get3A_7 : vector<1x1x1024xf32> to vector<1x1024xf32>
    %get3A_9 = arith.constant 0 : index
    %get3A_10 = arith.constant 0 : index
    %get3A_11 = arith.constant 0 : index
    %get3A_12 = vector.load %arg3[%get3A_9, %get3A_10, %get3A_11] : memref<1x1x1024xf32, #tpu.memory_space<vmem>>, vector<1x1x1024xf32>
    %get3A_13 = vector.shape_cast %get3A_12 : vector<1x1x1024xf32> to vector<1x1024xf32>
    %get3A_14 = arith.constant 0 : index
    %get3A_15 = arith.constant 0 : index
    %get3A_16 = arith.constant 0 : index
    %get3A_17 = vector.load %arg4[%get3A_14, %get3A_15, %get3A_16] : memref<1x512x1xi32, #tpu.memory_space<vmem>>, vector<1x512x1xi32>
    %get3A_18 = vector.shape_cast %get3A_17 : vector<1x512x1xi32> to vector<512x1xi32>
    %iota3A = tpu.iota {dimensions = array<i32: 1>} : vector<512x1024xi32>
    %eq3A = vector.broadcast %get3A_18 : vector<512x1xi32> to vector<512x1024xi32>
    %eq3A_19 = arith.cmpi eq, %iota3A, %eq3A : vector<512x1024xi32>
    %jit3A = arith.constant 0.000000e+00 : f32
    %broadcast_in_dim3A = vector.shape_cast %get3A_3 : vector<1x1024xf32> to vector<1x1024xf32>
    %broadcast_in_dim3A_20 = vector.broadcast %broadcast_in_dim3A : vector<1x1024xf32> to vector<512x1024xf32>
    %broadcast_in_dim3A_21 = vector.broadcast %jit3A : f32 to vector<512x1024xf32>
    %select_n3A = arith.select %eq3A_19, %broadcast_in_dim3A_20, %broadcast_in_dim3A_21 : vector<512x1024xi1>, vector<512x1024xf32>
    %reduce_sum3A = arith.constant dense<0.000000e+00> : vector<512xf32>
    %reduce_sum3A_22 = vector.multi_reduction <add>, %select_n3A, %reduce_sum3A [1] : vector<512x1024xf32> to vector<512xf32>
    %broadcast_in_dim3A_23 = vector.shape_cast %reduce_sum3A_22 : vector<512xf32> to vector<512x1xf32>
    %jit3A_24 = arith.constant 0.000000e+00 : f32
    %broadcast_in_dim3A_25 = vector.shape_cast %get3A_8 : vector<1x1024xf32> to vector<1x1024xf32>
    %broadcast_in_dim3A_26 = vector.broadcast %broadcast_in_dim3A_25 : vector<1x1024xf32> to vector<512x1024xf32>
    %broadcast_in_dim3A_27 = vector.broadcast %jit3A_24 : f32 to vector<512x1024xf32>
    %select_n3A_28 = arith.select %eq3A_19, %broadcast_in_dim3A_26, %broadcast_in_dim3A_27 : vector<512x1024xi1>, vector<512x1024xf32>
    %reduce_sum3A_29 = arith.constant dense<0.000000e+00> : vector<512xf32>
    %reduce_sum3A_30 = vector.multi_reduction <add>, %select_n3A_28, %reduce_sum3A_29 [1] : vector<512x1024xf32> to vector<512xf32>
    %broadcast_in_dim3A_31 = vector.shape_cast %reduce_sum3A_30 : vector<512xf32> to vector<512x1xf32>
    %jit3A_32 = arith.constant 0.000000e+00 : f32
    %broadcast_in_dim3A_33 = vector.shape_cast %get3A_13 : vector<1x1024xf32> to vector<1x1024xf32>
    %broadcast_in_dim3A_34 = vector.broadcast %broadcast_in_dim3A_33 : vector<1x1024xf32> to vector<512x1024xf32>
    %broadcast_in_dim3A_35 = vector.broadcast %jit3A_32 : f32 to vector<512x1024xf32>
    %select_n3A_36 = arith.select %eq3A_19, %broadcast_in_dim3A_34, %broadcast_in_dim3A_35 : vector<512x1024xi1>, vector<512x1024xf32>
    %reduce_sum3A_37 = arith.constant dense<0.000000e+00> : vector<512xf32>
    %reduce_sum3A_38 = vector.multi_reduction <add>, %select_n3A_36, %reduce_sum3A_37 [1] : vector<512x1024xf32> to vector<512xf32>
    %broadcast_in_dim3A_39 = vector.shape_cast %reduce_sum3A_38 : vector<512xf32> to vector<512x1xf32>
    %swap3A = arith.constant 0 : index
    %swap3A_40 = arith.constant 0 : index
    %swap3A_41 = arith.constant 0 : index
    %swap3A_42 = vector.load %arg7[%swap3A, %swap3A_40, %swap3A_41] : memref<1x512x3xf32, #tpu.memory_space<vmem>>, vector<1x512x1xf32>
    %swap3A_43 = vector.shape_cast %swap3A_42 : vector<1x512x1xf32> to vector<512x1xf32>
    %swap3A_44 = vector.shape_cast %broadcast_in_dim3A_23 : vector<512x1xf32> to vector<1x512x1xf32>
    tpu.vector_store %arg7[%swap3A, %swap3A_40, %swap3A_41], %swap3A_44 {strides = array<i32>} : memref<1x512x3xf32, #tpu.memory_space<vmem>>, vector<1x512x1xf32>,
    %swap3A_45 = arith.constant 0 : index
    %swap3A_46 = arith.constant 0 : index
    %swap3A_47 = arith.constant 1 : index
    %swap3A_48 = vector.load %arg7[%swap3A_45, %swap3A_46, %swap3A_47] : memref<1x512x3xf32, #tpu.memory_space<vmem>>, vector<1x512x1xf32>
    %swap3A_49 = vector.shape_cast %swap3A_48 : vector<1x512x1xf32> to vector<512x1xf32>
    %swap3A_50 = vector.shape_cast %broadcast_in_dim3A_31 : vector<512x1xf32> to vector<1x512x1xf32>
    tpu.vector_store %arg7[%swap3A_45, %swap3A_46, %swap3A_47], %swap3A_50 {strides = array<i32>} : memref<1x512x3xf32, #tpu.memory_space<vmem>>, vector<1x512x1xf32>,
    %swap3A_51 = arith.constant 0 : index
    %swap3A_52 = arith.constant 0 : index
    %swap3A_53 = arith.constant 2 : index
    %swap3A_54 = vector.load %arg7[%swap3A_51, %swap3A_52, %swap3A_53] : memref<1x512x3xf32, #tpu.memory_space<vmem>>, vector<1x512x1xf32>
    %swap3A_55 = vector.shape_cast %swap3A_54 : vector<1x512x1xf32> to vector<512x1xf32>
    %swap3A_56 = vector.shape_cast %broadcast_in_dim3A_39 : vector<512x1xf32> to vector<1x512x1xf32>
    tpu.vector_store %arg7[%swap3A_51, %swap3A_52, %swap3A_53], %swap3A_56 {strides = array<i32>} : memref<1x512x3xf32, #tpu.memory_space<vmem>>, vector<1x512x1xf32>,
    %sub3A = vector.broadcast %broadcast_in_dim3A_23 : vector<512x1xf32> to vector<512x1024xf32>
    %sub3A_57 = vector.broadcast %get3A_3 : vector<1x1024xf32> to vector<512x1024xf32>
    %sub3A_58 = arith.subf %sub3A, %sub3A_57 : vector<512x1024xf32>
    %sub3A_59 = vector.broadcast %broadcast_in_dim3A_31 : vector<512x1xf32> to vector<512x1024xf32>
    %sub3A_60 = vector.broadcast %get3A_8 : vector<1x1024xf32> to vector<512x1024xf32>
    %sub3A_61 = arith.subf %sub3A_59, %sub3A_60 : vector<512x1024xf32>
    %sub3A_62 = vector.broadcast %broadcast_in_dim3A_39 : vector<512x1xf32> to vector<512x1024xf32>
    %sub3A_63 = vector.broadcast %get3A_13 : vector<1x1024xf32> to vector<512x1024xf32>
    %sub3A_64 = arith.subf %sub3A_62, %sub3A_63 : vector<512x1024xf32>
    %mul3A = arith.mulf %sub3A_58, %sub3A_58 : vector<512x1024xf32>
    %mul3A_65 = arith.mulf %sub3A_61, %sub3A_61 : vector<512x1024xf32>
    %add3A = arith.addf %mul3A, %mul3A_65 : vector<512x1024xf32>
    %mul3A_66 = arith.mulf %sub3A_64, %sub3A_64 : vector<512x1024xf32>
    %add3A_67 = arith.addf %add3A, %mul3A_66 : vector<512x1024xf32>
    %swap3A_68 = arith.constant 0 : index
    %swap3A_69 = arith.constant 0 : index
    %swap3A_70 = arith.constant 0 : index
    %swap3A_71 = vector.load %arg5[%swap3A_68, %swap3A_69, %swap3A_70] : memref<1x512x1024xf32, #tpu.memory_space<vmem>>, vector<1x512x1024xf32>
    %swap3A_72 = vector.shape_cast %swap3A_71 : vector<1x512x1024xf32> to vector<512x1024xf32>
    %swap3A_73 = vector.shape_cast %add3A_67 : vector<512x1024xf32> to vector<1x512x1024xf32>
    tpu.vector_store %arg5[%swap3A_68, %swap3A_69, %swap3A_70], %swap3A_73 {strides = array<i32>} : memref<1x512x1024xf32, #tpu.memory_space<vmem>>, vector<1x512x1024xf32>,
    %le3A = arith.constant 4.000000e-02 : f32
    %le3A_74 = vector.broadcast %le3A : f32 to vector<512x1024xf32>
    %le3A_75 = arith.cmpf ole, %add3A_67, %le3A_74 : vector<512x1024xf32>
    %convert_element_type3A = arith.extui %le3A_75 : vector<512x1024xi1> to vector<512x1024xi32>
    %reduce_sum3A_76 = arith.constant dense<0> : vector<512xi32>
    %reduce_sum3A_77 = vector.multi_reduction <add>, %convert_element_type3A, %reduce_sum3A_76 [1] : vector<512x1024xi32> to vector<512xi32>
    %broadcast_in_dim3A_78 = vector.shape_cast %reduce_sum3A_77 : vector<512xi32> to vector<512x1xi32>
    %broadcast_in_dim3A_79 = arith.constant 4.000000e-02 : f32
    %broadcast_in_dim3A_80 = vector.broadcast %broadcast_in_dim3A_79 : f32 to vector<512x1xf32>
    %swap3A_81 = arith.constant 0 : index
    %swap3A_82 = arith.constant 0 : index
    %swap3A_83 = arith.constant 0 : index
    %swap3A_84 = vector.load %arg6[%swap3A_81, %swap3A_82, %swap3A_83] : memref<1x512x1xf32, #tpu.memory_space<vmem>>, vector<1x512x1xf32>
    %swap3A_85 = vector.shape_cast %swap3A_84 : vector<1x512x1xf32> to vector<512x1xf32>
    %swap3A_86 = vector.shape_cast %broadcast_in_dim3A_80 : vector<512x1xf32> to vector<1x512x1xf32>
    tpu.vector_store %arg6[%swap3A_81, %swap3A_82, %swap3A_83], %swap3A_86 {strides = array<i32>} : memref<1x512x1xf32, #tpu.memory_space<vmem>>, vector<1x512x1xf32>,
    %reduce_max3A = vector.shape_cast %broadcast_in_dim3A_78 : vector<512x1xi32> to vector<1x512x1xi32>
    %reduce_max3A_87 = arith.constant dense<-2147483648> : vector<1xi32>
    %reduce_max3A_88 = vector.multi_reduction <maxsi>, %reduce_max3A, %reduce_max3A_87 [1, 2] : vector<1x512x1xi32> to vector<1xi32>
    %reduce_max3A_89 = vector.shape_cast %reduce_max3A_88 : vector<1xi32> to vector<1x1x1xi32>
    %reduce_max3A_90 = vector.extract %reduce_max3A_89[0, 0, 0] : i32 from vector<1x1x1xi32>
    %gt3A = arith.constant 64 : i32
    %gt3A_91 = arith.cmpi sgt, %reduce_max3A_90, %gt3A : i32
    %convert_element_type3A_92 = arith.extui %gt3A_91 : i1 to i32
    %cond3A = arith.constant 0 : i32
    %cond3A_93 = arith.cmpi ne, %convert_element_type3A_92, %cond3A : i32
    scf.if %cond3A_93 {
      %bitcast_convert_type3A = tpu.bitcast %add3A_67 : vector<512x1024xf32> -> vector<512x1024xi32>
      %jit3A_94 = arith.constant 2139095039 : i32
      %broadcast_in_dim3A_95 = vector.broadcast %jit3A_94 : i32 to vector<512x1024xi32>
      %select_n3A_96 = arith.select %le3A_75, %bitcast_convert_type3A, %broadcast_in_dim3A_95 : vector<512x1024xi1>, vector<512x1024xi32>
      %broadcast_in_dim3A_97 = arith.constant 0 : i32
      %broadcast_in_dim3A_98 = vector.broadcast %broadcast_in_dim3A_97 : i32 to vector<512x1xi32>
      %broadcast_in_dim3A_99 = arith.constant 2139095039 : i32
      %broadcast_in_dim3A_100 = vector.broadcast %broadcast_in_dim3A_99 : i32 to vector<512x1xi32>
      %scan3A = arith.constant 0 : i32
      %scan3A_101 = arith.constant 31 : i32
      %scan3A_102 = arith.addi %scan3A, %scan3A_101 : i32
      %scan3A_103 = arith.constant 1 : i32
      %scan3A_104:2 = scf.for %scan3A_118 = %scan3A to %scan3A_102 step %scan3A_103 iter_args(%scan3A_119 = %broadcast_in_dim3A_98, %scan3A_120 = %broadcast_in_dim3A_100) -> (vector<512x1xi32>, vector<512x1xi32>)  : i32 {
        %sub3A_121 = arith.subi %scan3A_120, %scan3A_119 : vector<512x1xi32>
        %shift_right_arithmetic3A = arith.constant 1 : i32
        %shift_right_arithmetic3A_122 = vector.broadcast %shift_right_arithmetic3A : i32 to vector<512x1xi32>
        %shift_right_arithmetic3A_123 = arith.shrsi %sub3A_121, %shift_right_arithmetic3A_122 : vector<512x1xi32>
        %add3A_124 = arith.addi %scan3A_119, %shift_right_arithmetic3A_123 : vector<512x1xi32>
        %le3A_125 = vector.broadcast %add3A_124 : vector<512x1xi32> to vector<512x1024xi32>
        %le3A_126 = arith.cmpi sle, %select_n3A_96, %le3A_125 : vector<512x1024xi32>
        %convert_element_type3A_127 = arith.extui %le3A_126 : vector<512x1024xi1> to vector<512x1024xi32>
        %reduce_sum3A_128 = arith.constant dense<0> : vector<512xi32>
        %reduce_sum3A_129 = vector.multi_reduction <add>, %convert_element_type3A_127, %reduce_sum3A_128 [1] : vector<512x1024xi32> to vector<512xi32>
        %broadcast_in_dim3A_130 = vector.shape_cast %reduce_sum3A_129 : vector<512xi32> to vector<512x1xi32>
        %ge3A = arith.constant 64 : i32
        %ge3A_131 = vector.broadcast %ge3A : i32 to vector<512x1xi32>
        %ge3A_132 = arith.cmpi sge, %broadcast_in_dim3A_130, %ge3A_131 : vector<512x1xi32>
        %select_n3A_133 = arith.select %ge3A_132, %add3A_124, %scan3A_120 : vector<512x1xi1>, vector<512x1xi32>
        %add3A_134 = arith.constant 1 : i32
        %add3A_135 = vector.broadcast %add3A_134 : i32 to vector<512x1xi32>
        %add3A_136 = arith.addi %add3A_124, %add3A_135 : vector<512x1xi32>
        %select_n3A_137 = arith.select %ge3A_132, %scan3A_119, %add3A_136 : vector<512x1xi1>, vector<512x1xi32>
        scf.yield %select_n3A_137, %select_n3A_133 : vector<512x1xi32>, vector<512x1xi32>
      }
      %bitcast_convert_type3A_105 = tpu.bitcast %scan3A_104#1 : vector<512x1xi32> -> vector<512x1xf32>
      %gt3A_106 = arith.constant 64 : i32
      %gt3A_107 = vector.broadcast %gt3A_106 : i32 to vector<512x1xi32>
      %gt3A_108 = arith.cmpi sgt, %broadcast_in_dim3A_78, %gt3A_107 : vector<512x1xi32>
      %jit3A_109 = arith.constant 4.000000e-02 : f32
      %broadcast_in_dim3A_110 = vector.broadcast %jit3A_109 : f32 to vector<512x1xf32>
      %select_n3A_111 = arith.select %gt3A_108, %bitcast_convert_type3A_105, %broadcast_in_dim3A_110 : vector<512x1xi1>, vector<512x1xf32>
      %swap3A_112 = arith.constant 0 : index
      %swap3A_113 = arith.constant 0 : index
      %swap3A_114 = arith.constant 0 : index
      %swap3A_115 = vector.load %arg6[%swap3A_112, %swap3A_113, %swap3A_114] : memref<1x512x1xf32, #tpu.memory_space<vmem>>, vector<1x512x1xf32>
      %swap3A_116 = vector.shape_cast %swap3A_115 : vector<1x512x1xf32> to vector<512x1xf32>
      %swap3A_117 = vector.shape_cast %select_n3A_111 : vector<512x1xf32> to vector<1x512x1xf32>
      tpu.vector_store %arg6[%swap3A_112, %swap3A_113, %swap3A_114], %swap3A_117 {strides = array<i32>} : memref<1x512x1xf32, #tpu.memory_space<vmem>>, vector<1x512x1xf32>,
    } else {
    }
    return
  }
  func.func @transform_0(%arg0: i32) -> (i32, i32, i32) {
    %c0_i32 = arith.constant 0 : i32
    %c0_i32_0 = arith.constant 0 : i32
    %c0_i32_1 = arith.constant 0 : i32
    return %arg0, %c0_i32, %c0_i32_0 : i32, i32, i32
  }
  func.func @transform_1(%arg0: i32) -> (i32, i32, i32) {
    %c0_i32 = arith.constant 0 : i32
    %c0_i32_0 = arith.constant 0 : i32
    %c0_i32_1 = arith.constant 0 : i32
    return %arg0, %c0_i32, %c0_i32_0 : i32, i32, i32
  }
  func.func @transform_2(%arg0: i32) -> (i32, i32, i32) {
    %c0_i32 = arith.constant 0 : i32
    %c0_i32_0 = arith.constant 0 : i32
    %c0_i32_1 = arith.constant 0 : i32
    return %arg0, %c0_i32, %c0_i32_0 : i32, i32, i32
  }
  func.func @transform_3(%arg0: i32) -> (i32, i32, i32) {
    %c0_i32 = arith.constant 0 : i32
    %c0_i32_0 = arith.constant 0 : i32
    %c0_i32_1 = arith.constant 0 : i32
    return %arg0, %c0_i32, %c0_i32_0 : i32, i32, i32
  }
  func.func @transform_4(%arg0: i32) -> (i32, i32, i32) {
    %c0_i32 = arith.constant 0 : i32
    %c0_i32_0 = arith.constant 0 : i32
    %c0_i32_1 = arith.constant 0 : i32
    return %arg0, %c0_i32, %c0_i32_0 : i32, i32, i32
  }
  func.func @transform_5(%arg0: i32) -> (i32, i32, i32) {
    %c0_i32 = arith.constant 0 : i32
    %c0_i32_0 = arith.constant 0 : i32
    %c0_i32_1 = arith.constant 0 : i32
    return %arg0, %c0_i32, %c0_i32_0 : i32, i32, i32
  }
  func.func @transform_6(%arg0: i32) -> (i32, i32, i32) {
    %c0_i32 = arith.constant 0 : i32
    %c0_i32_0 = arith.constant 0 : i32
    %c0_i32_1 = arith.constant 0 : i32
    return %arg0, %c0_i32, %c0_i32_0 : i32, i32, i32
  }
}

module attributes {stable_mosaic.version = 14 : i64} {
  func.func @_table_kernel(%arg0: memref<4096x128xf32, #tpu.memory_space<vmem>>, %arg1: memref<4096x1xf32, #tpu.memory_space<vmem>>, %arg2: memref<4096x1xf32, #tpu.memory_space<vmem>>, %arg3: memref<4096x1xf32, #tpu.memory_space<vmem>>, %arg4: memref<128x64xf32, #tpu.memory_space<vmem>>, %arg5: memref<3x64xf32, #tpu.memory_space<vmem>>, %arg6: memref<1x64xf32, #tpu.memory_space<vmem>>, %arg7: memref<4096x64xf32, #tpu.memory_space<vmem>>) attributes {dimension_semantics = [], scalar_prefetch = 0 : i64, scratch_operands = 0 : i64, tpu.core_type = #tpu.core_type<tc>} {
    %get3A = arith.constant 0 : index
    %get3A_0 = arith.constant 0 : index
    %get3A_1 = vector.load %arg0[%get3A, %get3A_0] : memref<4096x128xf32, #tpu.memory_space<vmem>>, vector<4096x128xf32>
    %get3A_2 = arith.constant 0 : index
    %get3A_3 = arith.constant 0 : index
    %get3A_4 = vector.load %arg4[%get3A_2, %get3A_3] : memref<128x64xf32, #tpu.memory_space<vmem>>, vector<128x64xf32>
    %dot_general3A = arith.constant dense<0.000000e+00> : vector<4096x64xf32>
    %dot_general3A_5 = tpu.matmul %get3A_1, %get3A_4, %dot_general3A {dimension_numbers = #tpu.dot_dimension_numbers<[1], [0], [0], [1], [0, 0, 1, 1], [], []>, transpose_lhs_hint = false} : vector<4096x128xf32>, vector<128x64xf32>, vector<4096x64xf32> -> vector<4096x64xf32>
    %get3A_6 = arith.constant 0 : index
    %get3A_7 = arith.constant 0 : index
    %get3A_8 = vector.load %arg1[%get3A_6, %get3A_7] : memref<4096x1xf32, #tpu.memory_space<vmem>>, vector<4096x1xf32>
    %get3A_9 = arith.constant 0 : index
    %get3A_10 = arith.constant 0 : index
    %get3A_11 = vector.load %arg5[%get3A_9, %get3A_10] : memref<3x64xf32, #tpu.memory_space<vmem>>, vector<1x64xf32>
    %mul3A = vector.broadcast %get3A_8 : vector<4096x1xf32> to vector<4096x64xf32>
    %mul3A_12 = vector.broadcast %get3A_11 : vector<1x64xf32> to vector<4096x64xf32>
    %mul3A_13 = arith.mulf %mul3A, %mul3A_12 : vector<4096x64xf32>
    %add3A = arith.addf %dot_general3A_5, %mul3A_13 : vector<4096x64xf32>
    %get3A_14 = arith.constant 0 : index
    %get3A_15 = arith.constant 0 : index
    %get3A_16 = vector.load %arg2[%get3A_14, %get3A_15] : memref<4096x1xf32, #tpu.memory_space<vmem>>, vector<4096x1xf32>
    %get3A_17 = arith.constant 1 : index
    %get3A_18 = arith.constant 0 : index
    %get3A_19 = vector.load %arg5[%get3A_17, %get3A_18] : memref<3x64xf32, #tpu.memory_space<vmem>>, vector<1x64xf32>
    %mul3A_20 = vector.broadcast %get3A_16 : vector<4096x1xf32> to vector<4096x64xf32>
    %mul3A_21 = vector.broadcast %get3A_19 : vector<1x64xf32> to vector<4096x64xf32>
    %mul3A_22 = arith.mulf %mul3A_20, %mul3A_21 : vector<4096x64xf32>
    %add3A_23 = arith.addf %add3A, %mul3A_22 : vector<4096x64xf32>
    %get3A_24 = arith.constant 0 : index
    %get3A_25 = arith.constant 0 : index
    %get3A_26 = vector.load %arg3[%get3A_24, %get3A_25] : memref<4096x1xf32, #tpu.memory_space<vmem>>, vector<4096x1xf32>
    %get3A_27 = arith.constant 2 : index
    %get3A_28 = arith.constant 0 : index
    %get3A_29 = vector.load %arg5[%get3A_27, %get3A_28] : memref<3x64xf32, #tpu.memory_space<vmem>>, vector<1x64xf32>
    %mul3A_30 = vector.broadcast %get3A_26 : vector<4096x1xf32> to vector<4096x64xf32>
    %mul3A_31 = vector.broadcast %get3A_29 : vector<1x64xf32> to vector<4096x64xf32>
    %mul3A_32 = arith.mulf %mul3A_30, %mul3A_31 : vector<4096x64xf32>
    %add3A_33 = arith.addf %add3A_23, %mul3A_32 : vector<4096x64xf32>
    %get3A_34 = arith.constant 0 : index
    %get3A_35 = arith.constant 0 : index
    %get3A_36 = vector.load %arg6[%get3A_34, %get3A_35] : memref<1x64xf32, #tpu.memory_space<vmem>>, vector<1x64xf32>
    %add3A_37 = vector.broadcast %get3A_36 : vector<1x64xf32> to vector<4096x64xf32>
    %add3A_38 = arith.addf %add3A_33, %add3A_37 : vector<4096x64xf32>
    %swap3A = arith.constant 0 : index
    %swap3A_39 = arith.constant 0 : index
    %swap3A_40 = vector.load %arg7[%swap3A, %swap3A_39] : memref<4096x64xf32, #tpu.memory_space<vmem>>, vector<4096x64xf32>
    tpu.vector_store %arg7[%swap3A, %swap3A_39], %add3A_38 {strides = array<i32>} : memref<4096x64xf32, #tpu.memory_space<vmem>>, vector<4096x64xf32>,
    return
  }
}

module attributes {stable_mosaic.version = 14 : i64} {
  func.func @_conv_kernel(%arg0: i32, %arg1: i32, %arg2: memref<1x1024x64xf32, #tpu.memory_space<vmem>>, %arg3: memref<1x32x64xi32, #tpu.memory_space<vmem>>, %arg4: memref<1x32x64xf32, #tpu.memory_space<vmem>>, %arg5: memref<1x32x3xf32, #tpu.memory_space<vmem>>, %arg6: memref<3x64xf32, #tpu.memory_space<vmem>>, %arg7: memref<64x64xf32, #tpu.memory_space<vmem>>, %arg8: memref<1x64xf32, #tpu.memory_space<vmem>>, %arg9: memref<64x128xf32, #tpu.memory_space<vmem>>, %arg10: memref<1x128xf32, #tpu.memory_space<vmem>>, %arg11: memref<1x32x128xf32, #tpu.memory_space<vmem>>) attributes {dimension_semantics = [#tpu.dimension_semantics<arbitrary>, #tpu.dimension_semantics<arbitrary>], iteration_bounds = array<i64: 4, 16>, scalar_prefetch = 0 : i64, scratch_operands = 0 : i64, tpu.core_type = #tpu.core_type<tc>, window_params = [{transform_indices = @transform_0, window_bounds = array<i64: 1, 1024, 64>}, {transform_indices = @transform_1, window_bounds = array<i64: 1, 32, 64>}, {transform_indices = @transform_2, window_bounds = array<i64: 1, 32, 64>}, {transform_indices = @transform_3, window_bounds = array<i64: 1, 32, 3>}, {pipeline_mode = #tpu.pipeline_mode<synchronous>, transform_indices = @transform_4, window_bounds = array<i64: 3, 64>}, {pipeline_mode = #tpu.pipeline_mode<synchronous>, transform_indices = @transform_5, window_bounds = array<i64: 64, 64>}, {pipeline_mode = #tpu.pipeline_mode<synchronous>, transform_indices = @transform_6, window_bounds = array<i64: 1, 64>}, {pipeline_mode = #tpu.pipeline_mode<synchronous>, transform_indices = @transform_7, window_bounds = array<i64: 64, 128>}, {pipeline_mode = #tpu.pipeline_mode<synchronous>, transform_indices = @transform_8, window_bounds = array<i64: 1, 128>}, {transform_indices = @transform_9, window_bounds = array<i64: 1, 32, 128>}]} {
    %get3A = arith.constant 0 : index
    %get3A_0 = arith.constant 0 : index
    %get3A_1 = arith.constant 0 : index
    %get3A_2 = vector.load %arg3[%get3A, %get3A_0, %get3A_1] : memref<1x32x64xi32, #tpu.memory_space<vmem>>, vector<1x32x64xi32>
    %get3A_3 = vector.shape_cast %get3A_2 : vector<1x32x64xi32> to vector<32x64xi32>
    %iota3A = tpu.iota {dimensions = array<i32: 2>} : vector<32x64x1024xi32>
    %broadcast_in_dim3A = vector.shape_cast %get3A_3 : vector<32x64xi32> to vector<32x64x1xi32>
    %eq3A = vector.broadcast %broadcast_in_dim3A : vector<32x64x1xi32> to vector<32x64x1024xi32>
    %eq3A_4 = arith.cmpi eq, %iota3A, %eq3A : vector<32x64x1024xi32>
    %convert_element_type3A = arith.extui %eq3A_4 : vector<32x64x1024xi1> to vector<32x64x1024xi32>
    %convert_element_type3A_5 = arith.sitofp %convert_element_type3A : vector<32x64x1024xi32> to vector<32x64x1024xf32>
    %reshape3A = vector.shape_cast %convert_element_type3A_5 : vector<32x64x1024xf32> to vector<2048x1024xf32>
    %get3A_6 = arith.constant 0 : index
    %get3A_7 = arith.constant 0 : index
    %get3A_8 = arith.constant 0 : index
    %get3A_9 = vector.load %arg2[%get3A_6, %get3A_7, %get3A_8] : memref<1x1024x64xf32, #tpu.memory_space<vmem>>, vector<1x1024x64xf32>
    %get3A_10 = vector.shape_cast %get3A_9 : vector<1x1024x64xf32> to vector<1024x64xf32>
    %dot_general3A = arith.constant dense<0.000000e+00> : vector<2048x64xf32>
    %dot_general3A_11 = tpu.matmul %reshape3A, %get3A_10, %dot_general3A {dimension_numbers = #tpu.dot_dimension_numbers<[1], [0], [0], [1], [0, 0, 1, 1], [], []>, transpose_lhs_hint = false} : vector<2048x1024xf32>, vector<1024x64xf32>, vector<2048x64xf32> -> vector<2048x64xf32>
    %get3A_12 = arith.constant 0 : index
    %get3A_13 = arith.constant 0 : index
    %get3A_14 = arith.constant 0 : index
    %get3A_15 = vector.load %arg5[%get3A_12, %get3A_13, %get3A_14] : memref<1x32x3xf32, #tpu.memory_space<vmem>>, vector<1x32x3xf32>
    %get3A_16 = vector.shape_cast %get3A_15 : vector<1x32x3xf32> to vector<32x3xf32>
    %slice3A = vector.extract_strided_slice %get3A_16 {offsets = [0, 0], sizes = [32, 1], strides = [1, 1]} : vector<32x3xf32> to vector<32x1xf32>
    %get3A_17 = arith.constant 0 : index
    %get3A_18 = arith.constant 0 : index
    %get3A_19 = arith.constant 0 : index
    %get3A_20 = vector.load %arg5[%get3A_17, %get3A_18, %get3A_19] : memref<1x32x3xf32, #tpu.memory_space<vmem>>, vector<1x32x3xf32>
    %get3A_21 = vector.shape_cast %get3A_20 : vector<1x32x3xf32> to vector<32x3xf32>
    %slice3A_22 = vector.extract_strided_slice %get3A_21 {offsets = [0, 1], sizes = [32, 1], strides = [1, 1]} : vector<32x3xf32> to vector<32x1xf32>
    %get3A_23 = arith.constant 0 : index
    %get3A_24 = arith.constant 0 : index
    %get3A_25 = arith.constant 0 : index
    %get3A_26 = vector.load %arg5[%get3A_23, %get3A_24, %get3A_25] : memref<1x32x3xf32, #tpu.memory_space<vmem>>, vector<1x32x3xf32>
    %get3A_27 = vector.shape_cast %get3A_26 : vector<1x32x3xf32> to vector<32x3xf32>
    %slice3A_28 = vector.extract_strided_slice %get3A_27 {offsets = [0, 2], sizes = [32, 1], strides = [1, 1]} : vector<32x3xf32> to vector<32x1xf32>
    %get3A_29 = arith.constant 0 : index
    %get3A_30 = arith.constant 0 : index
    %get3A_31 = vector.load %arg6[%get3A_29, %get3A_30] : memref<3x64xf32, #tpu.memory_space<vmem>>, vector<1x64xf32>
    %mul3A = vector.broadcast %slice3A : vector<32x1xf32> to vector<32x64xf32>
    %mul3A_32 = vector.broadcast %get3A_31 : vector<1x64xf32> to vector<32x64xf32>
    %mul3A_33 = arith.mulf %mul3A, %mul3A_32 : vector<32x64xf32>
    %get3A_34 = arith.constant 1 : index
    %get3A_35 = arith.constant 0 : index
    %get3A_36 = vector.load %arg6[%get3A_34, %get3A_35] : memref<3x64xf32, #tpu.memory_space<vmem>>, vector<1x64xf32>
    %mul3A_37 = vector.broadcast %slice3A_22 : vector<32x1xf32> to vector<32x64xf32>
    %mul3A_38 = vector.broadcast %get3A_36 : vector<1x64xf32> to vector<32x64xf32>
    %mul3A_39 = arith.mulf %mul3A_37, %mul3A_38 : vector<32x64xf32>
    %add3A = arith.addf %mul3A_33, %mul3A_39 : vector<32x64xf32>
    %get3A_40 = arith.constant 2 : index
    %get3A_41 = arith.constant 0 : index
    %get3A_42 = vector.load %arg6[%get3A_40, %get3A_41] : memref<3x64xf32, #tpu.memory_space<vmem>>, vector<1x64xf32>
    %mul3A_43 = vector.broadcast %slice3A_28 : vector<32x1xf32> to vector<32x64xf32>
    %mul3A_44 = vector.broadcast %get3A_42 : vector<1x64xf32> to vector<32x64xf32>
    %mul3A_45 = arith.mulf %mul3A_43, %mul3A_44 : vector<32x64xf32>
    %add3A_46 = arith.addf %add3A, %mul3A_45 : vector<32x64xf32>
    %reshape3A_47 = vector.shape_cast %dot_general3A_11 : vector<2048x64xf32> to vector<32x64x64xf32>
    %broadcast_in_dim3A_48 = vector.shape_cast %add3A_46 : vector<32x64xf32> to vector<32x1x64xf32>
    %sub3A = vector.broadcast %broadcast_in_dim3A_48 : vector<32x1x64xf32> to vector<32x64x64xf32>
    %sub3A_49 = arith.subf %reshape3A_47, %sub3A : vector<32x64x64xf32>
    %max3A = arith.constant 0.000000e+00 : f32
    %max3A_50 = vector.broadcast %max3A : f32 to vector<32x64x64xf32>
    %max3A_51 = arith.maximumf %sub3A_49, %max3A_50 : vector<32x64x64xf32>
    %reshape3A_52 = vector.shape_cast %max3A_51 : vector<32x64x64xf32> to vector<2048x64xf32>
    %get3A_53 = arith.constant 0 : index
    %get3A_54 = arith.constant 0 : index
    %get3A_55 = vector.load %arg7[%get3A_53, %get3A_54] : memref<64x64xf32, #tpu.memory_space<vmem>>, vector<64x64xf32>
    %dot_general3A_56 = arith.constant dense<0.000000e+00> : vector<2048x64xf32>
    %dot_general3A_57 = tpu.matmul %reshape3A_52, %get3A_55, %dot_general3A_56 {dimension_numbers = #tpu.dot_dimension_numbers<[1], [0], [0], [1], [0, 0, 1, 1], [], []>, transpose_lhs_hint = false} : vector<2048x64xf32>, vector<64x64xf32>, vector<2048x64xf32> -> vector<2048x64xf32>
    %get3A_58 = arith.constant 0 : index
    %get3A_59 = arith.constant 0 : index
    %get3A_60 = vector.load %arg8[%get3A_58, %get3A_59] : memref<1x64xf32, #tpu.memory_space<vmem>>, vector<1x64xf32>
    %add3A_61 = vector.broadcast %get3A_60 : vector<1x64xf32> to vector<2048x64xf32>
    %add3A_62 = arith.addf %dot_general3A_57, %add3A_61 : vector<2048x64xf32>
    %max3A_63 = arith.constant 0.000000e+00 : f32
    %max3A_64 = vector.broadcast %max3A_63 : f32 to vector<2048x64xf32>
    %max3A_65 = arith.maximumf %add3A_62, %max3A_64 : vector<2048x64xf32>
    %get3A_66 = arith.constant 0 : index
    %get3A_67 = arith.constant 0 : index
    %get3A_68 = vector.load %arg9[%get3A_66, %get3A_67] : memref<64x128xf32, #tpu.memory_space<vmem>>, vector<64x128xf32>
    %dot_general3A_69 = arith.constant dense<0.000000e+00> : vector<2048x128xf32>
    %dot_general3A_70 = tpu.matmul %max3A_65, %get3A_68, %dot_general3A_69 {dimension_numbers = #tpu.dot_dimension_numbers<[1], [0], [0], [1], [0, 0, 1, 1], [], []>, transpose_lhs_hint = false} : vector<2048x64xf32>, vector<64x128xf32>, vector<2048x128xf32> -> vector<2048x128xf32>
    %get3A_71 = arith.constant 0 : index
    %get3A_72 = arith.constant 0 : index
    %get3A_73 = vector.load %arg10[%get3A_71, %get3A_72] : memref<1x128xf32, #tpu.memory_space<vmem>>, vector<1x128xf32>
    %add3A_74 = vector.broadcast %get3A_73 : vector<1x128xf32> to vector<2048x128xf32>
    %add3A_75 = arith.addf %dot_general3A_70, %add3A_74 : vector<2048x128xf32>
    %max3A_76 = arith.constant 0.000000e+00 : f32
    %max3A_77 = vector.broadcast %max3A_76 : f32 to vector<2048x128xf32>
    %max3A_78 = arith.maximumf %add3A_75, %max3A_77 : vector<2048x128xf32>
    %reshape3A_79 = vector.shape_cast %max3A_78 : vector<2048x128xf32> to vector<32x64x128xf32>
    %get3A_80 = arith.constant 0 : index
    %get3A_81 = arith.constant 0 : index
    %get3A_82 = arith.constant 0 : index
    %get3A_83 = vector.load %arg4[%get3A_80, %get3A_81, %get3A_82] : memref<1x32x64xf32, #tpu.memory_space<vmem>>, vector<1x32x64xf32>
    %get3A_84 = vector.shape_cast %get3A_83 : vector<1x32x64xf32> to vector<32x64xf32>
    %broadcast_in_dim3A_85 = vector.shape_cast %get3A_84 : vector<32x64xf32> to vector<32x64x1xf32>
    %gt3A = arith.constant 5.000000e-01 : f32
    %gt3A_86 = vector.broadcast %gt3A : f32 to vector<32x64x1xf32>
    %gt3A_87 = arith.cmpf ogt, %broadcast_in_dim3A_85, %gt3A_86 : vector<32x64x1xf32>
    %jit3A = arith.constant 0xFF800000 : f32
    %broadcast_in_dim3A_88 = vector.shape_cast %gt3A_87 : vector<32x64x1xi1> to vector<32x64x1xi1>
    %broadcast_in_dim3A_89 = vector.broadcast %broadcast_in_dim3A_88 : vector<32x64x1xi1> to vector<32x64x128xi1>
    %broadcast_in_dim3A_90 = vector.broadcast %jit3A : f32 to vector<32x64x128xf32>
    %select_n3A = arith.select %broadcast_in_dim3A_89, %reshape3A_79, %broadcast_in_dim3A_90 : vector<32x64x128xi1>, vector<32x64x128xf32>
    %reduce_max3A = arith.constant dense<0xFF800000> : vector<32x128xf32>
    %reduce_max3A_91 = vector.multi_reduction <maximumf>, %select_n3A, %reduce_max3A [1] : vector<32x64x128xf32> to vector<32x128xf32>
    %swap3A = arith.constant 0 : index
    %swap3A_92 = arith.constant 0 : index
    %swap3A_93 = arith.constant 0 : index
    %swap3A_94 = vector.load %arg11[%swap3A, %swap3A_92, %swap3A_93] : memref<1x32x128xf32, #tpu.memory_space<vmem>>, vector<1x32x128xf32>
    %swap3A_95 = vector.shape_cast %swap3A_94 : vector<1x32x128xf32> to vector<32x128xf32>
    %swap3A_96 = vector.shape_cast %reduce_max3A_91 : vector<32x128xf32> to vector<1x32x128xf32>
    tpu.vector_store %arg11[%swap3A, %swap3A_92, %swap3A_93], %swap3A_96 {strides = array<i32>} : memref<1x32x128xf32, #tpu.memory_space<vmem>>, vector<1x32x128xf32>,
    return
  }
  func.func @transform_0(%arg0: i32, %arg1: i32) -> (i32, i32, i32) {
    %c0_i32 = arith.constant 0 : i32
    %c0_i32_0 = arith.constant 0 : i32
    %c0_i32_1 = arith.constant 0 : i32
    return %arg0, %c0_i32, %c0_i32_0 : i32, i32, i32
  }
  func.func @transform_1(%arg0: i32, %arg1: i32) -> (i32, i32, i32) {
    %c0_i32 = arith.constant 0 : i32
    %c0_i32_0 = arith.constant 0 : i32
    return %arg0, %arg1, %c0_i32 : i32, i32, i32
  }
  func.func @transform_2(%arg0: i32, %arg1: i32) -> (i32, i32, i32) {
    %c0_i32 = arith.constant 0 : i32
    %c0_i32_0 = arith.constant 0 : i32
    return %arg0, %arg1, %c0_i32 : i32, i32, i32
  }
  func.func @transform_3(%arg0: i32, %arg1: i32) -> (i32, i32, i32) {
    %c0_i32 = arith.constant 0 : i32
    %c0_i32_0 = arith.constant 0 : i32
    return %arg0, %arg1, %c0_i32 : i32, i32, i32
  }
  func.func @transform_4(%arg0: i32, %arg1: i32) -> (i32, i32) {
    %c0_i32 = arith.constant 0 : i32
    %c0_i32_0 = arith.constant 0 : i32
    %c0_i32_1 = arith.constant 0 : i32
    return %c0_i32, %c0_i32_0 : i32, i32
  }
  func.func @transform_5(%arg0: i32, %arg1: i32) -> (i32, i32) {
    %c0_i32 = arith.constant 0 : i32
    %c0_i32_0 = arith.constant 0 : i32
    %c0_i32_1 = arith.constant 0 : i32
    return %c0_i32, %c0_i32_0 : i32, i32
  }
  func.func @transform_6(%arg0: i32, %arg1: i32) -> (i32, i32) {
    %c0_i32 = arith.constant 0 : i32
    %c0_i32_0 = arith.constant 0 : i32
    %c0_i32_1 = arith.constant 0 : i32
    return %c0_i32, %c0_i32_0 : i32, i32
  }
  func.func @transform_7(%arg0: i32, %arg1: i32) -> (i32, i32) {
    %c0_i32 = arith.constant 0 : i32
    %c0_i32_0 = arith.constant 0 : i32
    %c0_i32_1 = arith.constant 0 : i32
    return %c0_i32, %c0_i32_0 : i32, i32
  }
  func.func @transform_8(%arg0: i32, %arg1: i32) -> (i32, i32) {
    %c0_i32 = arith.constant 0 : i32
    %c0_i32_0 = arith.constant 0 : i32
    %c0_i32_1 = arith.constant 0 : i32
    return %c0_i32, %c0_i32_0 : i32, i32
  }
  func.func @transform_9(%arg0: i32, %arg1: i32) -> (i32, i32, i32) {
    %c0_i32 = arith.constant 0 : i32
    %c0_i32_0 = arith.constant 0 : i32
    return %arg0, %arg1, %c0_i32 : i32, i32, i32
  }
}

</mosaic_0001>

<sc_bundles>
// kernel: kernel.7.cloned.1.call-start
scs
__scs_entry_jumppad:
0x0: {  	(pc) =	sbr.rel $0x88, $3  }
0x1: {  	(tag) =	ssettag $0x0;
	lr =	simm.s32 $0x1  }
0x2: {  	[smem:$0x3F99] =	sst lr;
	_ =	strace $0xD0000000  }
0x3: {  	_ = 	snop  }
0x4: {  	_ = 	snop  }
0x5: {  	_ = 	snop  }
0x6: {  	_ = 	snop  }
0x7: {  	_ = 	snop  }
__scs_overlays_trampoline_lowered:
0x8: {  	[smem:$0x3FA8] =	sst s0  }
0x9: {  	[smem:$0x3FA9] =	sst s1  }
0xa: {  	[smem:$0x3FAA] =	sst s2  }
0xb: {  	[smem:$0x3FAB] =	sst s3  }
0xc: {  	[smem:$0x3FAC] =	sst s4  }
0xd: {  	[smem:$0x3FAD] =	sst s5  }
0xe: {  	[smem:$0x3FAE] =	sst s6  }
0xf: {  	[smem:$0x3FAF] =	sst s7  }
0x10: {  	[smem:$0x3FB0] =	sst s8  }
0x11: {  	[smem:$0x3FB1] =	sst s9;
	s0 =	simm.s32 @!p0 $0x0  }
0x12: {  	s1 =	sld [smem:$0x3F97];
	s0 =	simm.s32 @p0 $0x1  }
0x13: {  	[smem:$0x3FB2] =	sst s0;
	s0 =	simm.s32 @!p1 $0x0  }
0x14: {  	s2 =	sld [smem:$0x3F96];
	s0 =	simm.s32 @p1 $0x1  }
0x15: {  	[smem:$0x3FB3] =	sst s0;
	s0 =	simm.s32 @!p2 $0x0  }
0x16: {  	s3 =	sld [smem:$0x3FDB];
	s0 =	simm.s32 @p2 $0x1  }
0x17: {  	s4 =	simm.s32 $0x1BF5;
	[smem:$0x3FB5] =	sst s0  }
0x18: {  	s0 =	sld [smem:$0x3F98];
	_ =	swait.ge [sflag:s4], $0x0  }
0x19: {  	s7 =	sld [smem:$0x3F99]  }
0x1a: {  	s8 =	sadd.s32 $0xFFFFE003, lr  }
0x1b: {  	s9 =	sadd.s32 $0xFFFFFEF7, lr;
	s5 =	simm.s32 $0xFFFFFFFF;
	p2 =	slt.u32 s8, $0xFFFFF086  }
0x1c: {  	p1 =	slt.u32 s9, $0xF7A;
	s5 =	simm.s32 @!p2 $0x0  }
0x1d: {  	s5 =	simm.s32 @p1 $0x1;
	p0 =	seq.s32 s7, s2  }
0x1e: {  	s7 =	smul.u32 @!p0 $0xF7A, s2;
	p2 =	seq.s32 @!p0 s5, $0x0  }
0x1f: {  	s9 =	smul.u32 $0xF7A, s1;
	s8 =	simm.s32 @!p0 $0x1BF5;
	p2 =	por !p2, p0  }
0x20: {  	[sflag:s8] =	ssyncset.s32 @!p0 $0xFFFFF086;
	s6 =	sadd.s32 @!p0 s3, s7;
	s7 =	simm.s32 @!p0 $0x108  }
0x21: {  	s3 =	sadd.s32 s3, s9;
	s6 =	sadd.s32 @!p0 $0x88, s6;
	s7 =	simm.s32 @p2 $0x1082  }
0x22: {  	[simem:s7], [sflag:s8] =	dma.local @!p0 [hbm:s6], $0xF7A  }
0x23: {  	s9 =	sor.u32 $0xD0000000, s2;
	s6 =	simm.s32 $0x108;
	_ =	swait.ge @!p0 [sflag:s8], $0x0  }
0x24: {  	s3 =	sadd.s32 $0x88, s3;
	s6 =	simm.s32 @!p1 $0x1082;
	[sflag:s4] =	ssyncset.s32 $0xFFFFF086  }
0x25: {  	[simem:s6], [sflag:s4] =	dma.local [hbm:s3], $0xF7A  }
0x26: {  	[smem:$0x3F99] =	sst s1;
	(tag) =	ssettag s2;
	_ =	strace s9  }
0x27: {  	s1 =	sld [smem:$0x3FA9]  }
0x28: {  	s2 =	sld [smem:$0x3FAA]  }
0x29: {  	s4 =	sld [smem:$0x3FAC]  }
0x2a: {  	p0 =	seq.s32 s5, $0x0;
	s5 =	sld [smem:$0x3FAD]  }
0x2b: {  	s6 =	sld [smem:$0x3FAE]  }
0x2c: {  	s7 =	sld [smem:$0x3FAF]  }
0x2d: {  	s3 =	simm.s32 $0x108;
	s8 =	sld [smem:$0x3FB0]  }
0x2e: {  	s3 =	simm.s32 @!p0 $0x1082;
	s9 =	sld [smem:$0x3FB1]  }
0x2f: {  	lr =	sadd.s32 s0, s3;
	s0 =	sld [smem:$0x3FA8]  }
0x30: {  	s3 =	sld [smem:$0x3FAB]  }
0x31: {  	[smem:$0x3FB4] =	sst s10  }
0x32: {  	s10 =	sld [smem:$0x3FB2];
	_ =	sdelay $0x3  }
0x33: {  	p0 =	seq.s32 s10, $0x1;
	s10 =	sld [smem:$0x3FB4];
	_ =	sdelay $0x3  }
0x34: {  	[smem:$0x3FB4] =	sst s10  }
0x35: {  	s10 =	sld [smem:$0x3FB3];
	_ =	sdelay $0x3  }
0x36: {  	p1 =	seq.s32 s10, $0x1;
	s10 =	sld [smem:$0x3FB4];
	_ =	sdelay $0x3  }
0x37: {  	[smem:$0x3FB4] =	sst s10  }
0x38: {  	s10 =	sld [smem:$0x3FB5]  }
0x39: {  	_ = 	snop;
	(pc) =	sbr.ind lr, $3  }
0x3a: {  	_ = 	snop  }
0x3b: {  	_ = 	snop  }
0x3c: {  	p2 =	seq.s32 s10, $0x1;
	s10 =	sld [smem:$0x3FB4]  }
0x3d: {  	_ =	shalt  }
0x3e: {  	_ =	shalt  }
0x3f: {  	_ =	shalt  }
0x40: {  	_ =	shalt  }
0x41: {  	_ =	shalt  }
0x42: {  	_ =	shalt  }
0x43: {  	_ =	shalt  }
0x44: {  	_ =	shalt  }
0x45: {  	_ =	shalt  }
0x46: {  	_ =	shalt  }
0x47: {  	_ =	shalt  }
0x48: {  	_ =	shalt  }
0x49: {  	_ =	shalt  }
0x4a: {  	_ =	shalt  }
0x4b: {  	_ =	shalt  }
0x4c: {  	_ =	shalt  }
0x4d: {  	_ =	shalt  }
0x4e: {  	_ =	shalt  }
0x4f: {  	_ =	shalt  }
0x50: {  	_ =	shalt  }
0x51: {  	_ =	shalt  }
0x52: {  	_ =	shalt  }
0x53: {  	_ =	shalt  }
0x54: {  	_ =	shalt  }
0x55: {  	_ =	shalt  }
0x56: {  	_ =	shalt  }
0x57: {  	_ =	shalt  }
0x58: {  	_ =	shalt  }
0x59: {  	_ =	shalt  }
0x5a: {  	_ =	shalt  }
0x5b: {  	_ =	shalt  }
0x5c: {  	_ =	shalt  }
0x5d: {  	_ =	shalt  }
0x5e: {  	_ =	shalt  }
0x5f: {  	_ =	shalt  }
0x60: {  	_ =	shalt  }
0x61: {  	_ =	shalt  }
0x62: {  	_ =	shalt  }
0x63: {  	_ =	shalt  }
0x64: {  	_ =	shalt  }
0x65: {  	_ =	shalt  }
0x66: {  	_ =	shalt  }
0x67: {  	_ =	shalt  }
0x68: {  	_ =	shalt  }
0x69: {  	_ =	shalt  }
0x6a: {  	_ =	shalt  }
0x6b: {  	_ =	shalt  }
0x6c: {  	_ =	shalt  }
0x6d: {  	_ =	shalt  }
0x6e: {  	_ =	shalt  }
0x6f: {  	_ =	shalt  }
0x70: {  	_ =	shalt  }
0x71: {  	_ =	shalt  }
0x72: {  	_ =	shalt  }
0x73: {  	_ =	shalt  }
0x74: {  	_ =	shalt  }
0x75: {  	_ =	shalt  }
0x76: {  	_ =	shalt  }
0x77: {  	_ =	shalt  }
0x78: {  	_ =	shalt  }
0x79: {  	_ =	shalt  }
0x7a: {  	_ =	shalt  }
0x7b: {  	_ =	shalt  }
0x7c: {  	_ =	shalt  }
0x7d: {  	_ =	shalt  }
0x7e: {  	_ =	shalt  }
0x7f: {  	_ =	shalt  }
0x80: {  	_ =	shalt  }
0x81: {  	_ =	shalt  }
0x82: {  	_ =	shalt  }
0x83: {  	_ =	shalt  }
0x84: {  	_ =	shalt  }
0x85: {  	_ =	shalt  }
0x86: {  	_ =	shalt  }
0x87: {  	_ =	shalt  }
.Lfunc_end0:
.L_simem_size_0:
called_computation_lowered:
.L_overlay_start_0:
0x88: {  	s2 =	sld [smem:$0x3FD9]  }
0x89: {  	s3 =	sld [smem:$0x3FFE];
	_ =	sdelay $0x1  }
0x8a: {  	s1 =	srdreg.scid  }
0x8b: {  	s0 =	sand.u32 $0x1, s1  }
0x8c: {  	s14 =	sshll.u32 s0, $0xA;
	s2 =	sadd.s32 s3, s2  }
0x8d: {  	s2 =	sadd.s32 s2, s14  }
0x8e: {  	[smem:$0x3FC0] =	sst s2  }
0x8f: {  	_ = 	snop  }
0x90: {  	s2 =	sld [smem:$0x3FD0];
	_ =	sdelay $0x2  }
0x91: {  	s15 =	simm.s32 $0xA;
	s4 =	simm.s32 $0x10  }
0x92: {  	[smem:s4], [sflag:s15] =	dma.local [hbm:s2], $0x1  }
0x93: {  	_ =	swait.eq [sflag:s15], $0x1  }
0x94: {  	[sflag:s15] =	ssyncset.done $0x0  }
0x95: {  	[sflag:s15] =	ssyncadd.s32 $0xFFFFFFFF  }
0x96: {  	s16 =	sld [smem:$0x10];
	(tm) =	ssettm $0x1  }
0x97: {  	s17 =	sld [smem:$0x3FFB];
	_ =	sdelay $0x3  }
0x98: {  	_ =	strace s17  }
0x99: {  	s3 =	sld [smem:$0x3FFC];
	_ =	sdelay $0x3  }
0x9a: {  	_ =	strace s3  }
0x9b: {  	s3 =	sld [smem:$0x3FFD];
	_ =	sdelay $0x3  }
0x9c: {  	_ =	strace s3  }
0x9d: {  	_ =	strace $0x8FFFFFFF  }
0x9e: {  	s18 =	sld [smem:$0x3FDB];
	_ =	sdelay $0x1  }
0x9f: {  	s19 =	simm.s32 $_scs_section_size  }
0xa0: {  	s5 =	simm.s32 $_size__tile_overlayer_lowered;
	s6 =	simm.s32 $_tile_overlayer_lowered  }
0xa1: {  	s22 =	simm.s32 $0x1BFF;
	s21 =	sshll.u32 s6, $0x1;
	s3 =	sadd.s32 s19, s18  }
0xa2: {  	s7 =	simm.s32 $0x0;
	s20 =	sshll.u32 s5, $0x1;
	s5 =	sadd.s32 s21, s3  }
0xa3: {  	[timem:s7], [sflag:s22] =	dma.local [hbm:s5], s20  }
0xa4: {  	_ =	swait.ge [sflag:s22], s20  }
0xa5: {  	s4 =	ssub.s32 $0x0, s20;
	[sflag:s22] =	ssyncset.done $0x0  }
0xa6: {  	[sflag:s22] =	ssyncadd.s32 s4;
	_ =	sdelay $0x1  }
0xa7: {  	s23 =	simm.s32 $0x1B8B  }
0xa8: {  	_ =	swait.ge [sflag:s23], $0x1  }
0xa9: {  	[sflag:s23] =	ssyncset.done $0x0  }
0xaa: {  	s25 =	simm.s32 $0x1B8E;
	s24 =	sld [smem:$0x3FFE];
	[sflag:s23] =	ssyncadd.s32 $0xFFFFFFFF  }
0xab: {  	s26 =	simm.s32 $execute0_lowered;
	[smem:$0x3FD2] =	sst s25  }
0xac: {  	s5 =	sshll.u32 s26, $0x1;
	_ =	strace $0x80000046;
	[dreg:$0x1] =	wrdreg $0xFFFFFFFF  }
0xad: {  	s28 =	simm.s32 $_size_execute0_lowered;
	s3 =	sadd.s32 s3, s5;
	[dreg:$0x0] =	wrdreg $0x0  }
0xae: {  	s5 =	sshll.u32 s28, $0x1;
	[dreg:$0x2] =	wrdreg s3  }
0xaf: {  	[dreg:$0x3] =	wrdreg s5  }
0xb0: {  	[dreg:$0x4] =	wrdreg $0xC0  }
0xb1: {  	_ =	task [dreg:s7], $0x5FFFF  }
0xb2: {  	[dreg:$0x1] =	wrdreg $0xFFFFFFFF  }
0xb3: {  	[dreg:$0x0] =	wrdreg $0x60  }
0xb4: {  	[dreg:$0x2] =	wrdreg s24  }
0xb5: {  	[dreg:$0x3] =	wrdreg s16  }
0xb6: {  	[dreg:$0x4] =	wrdreg $0x9  }
0xb7: {  	_ =	task.clear_ibuf [dreg:s7], $0x5FFFF;
	_ =	strace $0x90000046  }
0xb8: {  	s29 =	simm.s32 $0x9;
	_ =	strace $0x80000048  }
0xb9: {  	_ =	swait.ge [sflag:s29], $0x1  }
0xba: {  	[sflag:s29] =	ssyncadd.s32 $0xFFFFFFFF  }
0xbb: {  	_ =	strace $0x90000048  }
0xbc: {  	_ =	sfence  }
0xbd: {  	s30 =	sld [smem:$0x0];
	_ =	sdelay $0x2  }
0xbe: {  	s31 =	sshll.u32 s1, $0xD;
	s1 =	sshrl.u32 s1, $0x2  }
0xbf: {  	s3 =	sand.u32 $0x4000, s31;
	s1 =	sadd.s32 s1, s30  }
0xc0: {  	s0 =	sor.u32 s3, s0;
	s1 =	sshll.u32 s1, $0x11  }
0xc1: {  	s0 =	sor.u32 s1, s0  }
0xc2: {  	s0 =	sadd.s32 $0x8F2B, s0  }
0xc3: {  	[sflag:s0] =	ssyncadd.remote.s32 $0x1  }
0xc4: {  	_ =	sfence.sel $0xFFFF  }
0xc5: {  	[dreg:$0x0] =	wrdreg $0xFFFFFFFF;
	(pc) =	sbr.abs _section_cstart, $3  }
0xc6: {  	[dreg:$0x1] =	wrdreg $0xFFFFFFFF  }
0xc7: {  	_ =	task.clear_ibuf [dreg:s7], $0x2FFFF;
	_ =	strace $0x9FFFFFFF  }
0xc8: {  	(tm) =	ssettm $0x7FFFFFFF  }
0xc9: {  	_ =	shalt  }
tec
execute0_lowered:
.L_overlay_start_1:
0x0: {  	(tag) =	ssettag $0x1  }
0x1: {  	s6 =	rddreg [dreg:$0x0]  }
0x2: {  	s2 =	rddreg [dreg:$0x1];
	s3 =	srdreg.scid  }
0x3: {  	s0 =	rddreg [dreg:$0x2];
	s1 =	stileid.u32;
	s10 =	simm.s32 $0x1  }
0x4: {  	s11 =	simm.s32 $0x2080;
	s12 =	simm.s32 $0x2480;
	s13 =	simm.s32 $0x2680  }
0x5: {  	s14 =	simm.s32 $0x0;
	s5 =	sand.u32 $0x1, s3;
	s3 =	simm.s32 $0x0  }
0x6: {  	s4 =	sshll.u32 s1, $0x7;
	s7 =	sshll.u32 s5, $0x6;
	[smem:$0x7FF] =	sst s3  }
0x7: {  	s31 =	ssub.s32 $0x2, s5;
	s5 =	sadd.s32 $0x2200, s6;
	s4 =	sor.u32 s7, s4  }
0x8: {  	_ =	strace $0x80000047;
	s9 =	sshrl.u32 s31, $0x1;
	s8 =	sshrl.u32 s4, $0x3  }
0x9: {  	v0 =	vimm.s32 $0x0;
	v1 =	vlaneseq.u32;
	v2 =	vimm.f32 $0.0e+00;
	s9 =	ssub.s32 s31, s9;
	s8 =	sadd.s32 s8, s6;
	s6 =	sadd.s32 $0x42400, s6  }
0xa: {  	v3 =	vor.u32 $0x10, v1;
	v4 =	vor.u32 $0x20, v1;
	v5 =	vor.u32 $0x30, v1;
	s7 =	sadd.s32 $0x42200, s8;
	s8 =	smax.u32 s9, $0x1;
	s9 =	simm.s32 $0x2000  }
.LBB2_1:
0xb: {  	[tilespmem:s9], [sflag:$0x1] =	stream.linear.gather [hbm4b:s7+s3], $0x40, $0x38;
	[tilespmem:$0x2880] =	vst v63  }
0xc: {  	_ =	swait.ge [sflag:s10], $0x40  }
0xd: {  	[sflag:s10] =	ssyncset.done $0x0  }
0xe: {  	s15 =	simm.s32 $0x0;
	[sflag:s10] =	ssyncadd.s32 $0xFFFFFFC0  }
.LBB2_2:
0xf: {  	s17 =	sshll.u32 s15, $0x3  }
0x10: {  	s16 =	sor.u32 s4, s17;
	v6 =	vmov s17  }
0x11: {  	s18 =	sshll.u32 s16, $0x7;
	v6 =	vbroadcast v6, $0x0  }
0x12: {  	s19 =	sadd.s32 s5, s18;
	s18 =	simm.s32 $0x0  }
0x13: {  	[tilespmem:s18], [sflag:$0x1] =	stream.linear.gather [hbm4b:s19+s18], $0x2000, $0x38;
	[tilespmem:$0x2880] =	vst v63  }
0x14: {  	_ =	swait.ge [sflag:s10], $0x2000  }
0x15: {  	[sflag:s10] =	ssyncset.done $0x0  }
0x16: {  	v7 =	vimm.s32 $0x0;
	[sflag:s10] =	ssyncadd.s32 $0xFFFFE000  }
0x17: {  	v6 =	vld.idx.msk [tilespmem:v6+s9+$0x0], $0xffff;
	[tilespmem:$0x2080] =	vst v7  }
0x18: {  	[tilespmem:$0x2090] =	vst v7  }
0x19: {  	[tilespmem:$0x20A0] =	vst v7  }
0x1a: {  	[tilespmem:$0x20B0] =	vst v7  }
0x1b: {  	s20 =	simm.s32 $0x10;
	v8 =	vimm.s32 $0x0;
	s21 =	simm.s32 $0x0;
	s19 =	simm.s32 $0x0;
	v9 =	vld [tilespmem:s18+$0x0]  }
.LBB2_3:
0x1c: {  	p0 =	sne.s32 s20, $0x3F0;
	_ =	sdelay $0x3  }
0x1d: {  	vm0 =	vlt.f32 v9, v6  }
0x1e: {  	v9 =	vmpcnt.ones.xlane vm0;
	v10 =	vsel vm0, $0x1, v0  }
0x1f: {  	(xrf0) =	vadd.scan.msk.s32 $0xffff, v10  }
0x20: {  	v7 =	vadd.s32 v7, v9;
	_ =	sdelay $0x3  }
0x21: {  	v9 =	vsel vm0, $0xFFFFFFFF, v0  }
0x22: {  	v9 =	vadd.s32 v9, v8;
	v8 =	vmov v7;
	v10, _, _ =	vpop (xrf0)  }
0x23: {  	v9 =	vadd.s32 v10, v9;
	_ =	sdelay $0x1  }
.Ltmp0:
0x24: {  	(pc) =	sbr.rel @p0 .LBB2_3-.Ltmp0, $4  }
0x25: {  	_ = 	snop  }
0x26: {  	v10 =	vor.u32 s19, v1;
	s19 =	smov.u32 s20  }
0x27: {  	s21 =	sadd.s32 $0x10, s21;
	[tilespmem:v9+s11+$0x0] =	vst.idx.msk vm0, v10  }
0x28: {  	s20 =	sadd.s32 $0x10, s20;
	v9 =	vld [tilespmem:s21+$0x0]  }
0x29: {  	_ =	sdelay $0x3  }
0x2a: {  	vm0 =	vlt.f32 v9, v6  }
0x2b: {  	v9 =	vsel vm0, $0x1, v0  }
0x2c: {  	(xrf0) =	vadd.scan.msk.s32 $0xffff, v9;
	_ =	sdelay $0x2  }
0x2d: {  	v9 =	vsel vm0, $0xFFFFFFFF, v0;
	_ =	sdelay $0x2  }
0x2e: {  	v8 =	vadd.s32 v9, v8;
	v9, _, _ =	vpop (xrf0)  }
0x2f: {  	v8 =	vadd.s32 v9, v8;
	_ =	sdelay $0x2  }
0x30: {  	v9 =	vmpcnt.ones.xlane vm0  }
0x31: {  	v10 =	vor.u32 s19, v1  }
0x32: {  	v7 =	vadd.s32 v7, v9;
	[tilespmem:v8+s11+$0x0] =	vst.idx.msk vm0, v10  }
0x33: {  	s19 =	simm.s32 $0x10;
	s20 =	simm.s32 $0x0;
	v8 =	vmov v7;
	v9 =	vld [tilespmem:s18+$0x0]  }
.LBB2_5:
0x34: {  	p0 =	sne.s32 s19, $0x3F0;
	_ =	sdelay $0x3  }
0x35: {  	vm0 =	veq.f32 v9, v6  }
0x36: {  	v9 =	vmpcnt.ones.xlane vm0;
	v10 =	vsel vm0, $0x1, v0  }
0x37: {  	(xrf0) =	vadd.scan.msk.s32 $0xffff, v10  }
0x38: {  	v7 =	vadd.s32 v7, v9;
	_ =	sdelay $0x3  }
0x39: {  	v9 =	vsel vm0, $0xFFFFFFFF, v0  }
0x3a: {  	v9 =	vadd.s32 v9, v8;
	v8 =	vmov v7;
	v10, _, _ =	vpop (xrf0)  }
0x3b: {  	v9 =	vadd.s32 v10, v9;
	_ =	sdelay $0x1  }
.Ltmp1:
0x3c: {  	(pc) =	sbr.rel @p0 .LBB2_5-.Ltmp1, $4  }
0x3d: {  	_ = 	snop  }
0x3e: {  	v10 =	vor.u32 s18, v1;
	s18 =	smov.u32 s19  }
0x3f: {  	s20 =	sadd.s32 $0x10, s20;
	[tilespmem:v9+s11+$0x0] =	vst.idx.msk vm0, v10  }
0x40: {  	s19 =	sadd.s32 $0x10, s19;
	v9 =	vld [tilespmem:s20+$0x0]  }
0x41: {  	_ =	sdelay $0x3  }
0x42: {  	vm0 =	veq.f32 v9, v6  }
0x43: {  	v6 =	vsel vm0, $0x1, v0  }
0x44: {  	(xrf0) =	vadd.scan.msk.s32 $0xffff, v6;
	_ =	sdelay $0x4  }
0x45: {  	v6 =	vsel vm0, $0xFFFFFFFF, v0  }
0x46: {  	v6 =	vadd.s32 v6, v8;
	v8, _, _ =	vpop (xrf0)  }
0x47: {  	v6 =	vadd.s32 v8, v6;
	_ =	sdelay $0x3  }
0x48: {  	v8 =	vor.u32 s18, v1  }
0x49: {  	v9 =	vmpcnt.ones.xlane vm0;
	[tilespmem:v6+s11+$0x0] =	vst.idx.msk vm0, v8  }
0x4a: {  	v6 =	vld [tilespmem:$0x2080]  }
0x4b: {  	v7 =	vadd.s32 v7, v9  }
0x4c: {  	vm12 =	vgt.s32 v7, v1  }
0x4d: {  	s31 =	sor.u32 $0x1, s17;
	v9 =	vsel vm12, $0x3F800000, v2;
	v8 =	vld [tilespmem:$0x2090]  }
0x4e: {  	v10 =	vmov s31;
	vm13 =	vgt.s32 v7, v3;
	[tilespmem:$0x2680] =	vst v9;
	v9 =	vld [tilespmem:$0x20A0]  }
0x4f: {  	v10 =	vand.u32 $0xFFFFFFF9, v10;
	vm15 =	vgt.s32 v7, v5;
	[tilespmem:$0x2480] =	vst v6;
	v6 =	vsel vm13, $0x3F800000, v2  }
0x50: {  	v10 =	vbroadcast v10, $0x0;
	vm14 =	vgt.s32 v7, v4;
	v7 =	vsel vm15, $0x3F800000, v2;
	[tilespmem:$0x2690] =	vst v6;
	v6 =	vld [tilespmem:$0x20B0]  }
0x51: {  	[tilespmem:$0x26B0] =	vst v7  }
0x52: {  	[tilespmem:$0x2490] =	vst v8  }
0x53: {  	v8 =	vsel vm14, $0x3F800000, v2;
	[tilespmem:$0x24A0] =	vst v9  }
0x54: {  	[tilespmem:$0x26A0] =	vst v8  }
0x55: {  	v7 =	vimm.s32 $0x0;
	[tilespmem:$0x24B0] =	vst v6  }
0x56: {  	v6 =	vld.idx.msk [tilespmem:v10+s9+$0x0], $0xffff;
	[tilespmem:$0x2080] =	vst v7  }
0x57: {  	[tilespmem:$0x2090] =	vst v7  }
0x58: {  	s18 =	simm.s32 $0x0;
	[tilespmem:$0x20A0] =	vst v7  }
0x59: {  	s20 =	simm.s32 $0x10;
	s19 =	simm.s32 $0x0;
	s21 =	sand.u32 $0x3F0, s18;
	v8 =	vimm.s32 $0x0;
	[tilespmem:$0x20B0] =	vst v7  }
.LBB2_7:
0x5a: {  	p0 =	sne.s32 s20, $0x3F0;
	v9 =	vld [tilespmem:s21+$0x400];
	_ =	sdelay $0x4  }
0x5b: {  	vm0 =	vlt.f32 v9, v6  }
0x5c: {  	v9 =	vmpcnt.ones.xlane vm0;
	v10 =	vsel vm0, $0x1, v0  }
0x5d: {  	(xrf0) =	vadd.scan.msk.s32 $0xffff, v10  }
0x5e: {  	v7 =	vadd.s32 v7, v9;
	_ =	sdelay $0x3  }
0x5f: {  	v9 =	vsel vm0, $0xFFFFFFFF, v0  }
0x60: {  	v9 =	vadd.s32 v9, v8;
	v8 =	vmov v7;
	v10, _, _ =	vpop (xrf0)  }
0x61: {  	v9 =	vadd.s32 v10, v9  }
.Ltmp2:
0x62: {  	(pc) =	sbr.rel @p0 .LBB2_7-.Ltmp2, $3  }
0x63: {  	_ =	sdelay $0x1  }
0x64: {  	v10 =	vor.u32 s19, v1;
	s19 =	smov.u32 s20  }
0x65: {  	s20 =	sadd.s32 $0x10, s20;
	s21 =	sand.u32 $0x3F0, s19;
	[tilespmem:v9+s11+$0x0] =	vst.idx.msk vm0, v10  }
0x66: {  	v9 =	vld [tilespmem:s21+$0x400];
	_ =	sdelay $0x4  }
0x67: {  	vm0 =	vlt.f32 v9, v6  }
0x68: {  	v9 =	vsel vm0, $0x1, v0  }
0x69: {  	(xrf0) =	vadd.scan.msk.s32 $0xffff, v9;
	_ =	sdelay $0x2  }
0x6a: {  	v9 =	vsel vm0, $0xFFFFFFFF, v0;
	_ =	sdelay $0x2  }
0x6b: {  	v8 =	vadd.s32 v9, v8;
	v9, _, _ =	vpop (xrf0)  }
0x6c: {  	v8 =	vadd.s32 v9, v8;
	_ =	sdelay $0x1  }
0x6d: {  	v9 =	vmpcnt.ones.xlane vm0;
	_ =	sdelay $0x1  }
0x6e: {  	v7 =	vadd.s32 v7, v9;
	v9 =	vor.u32 s19, v1  }
0x6f: {  	s20 =	sand.u32 $0x3F0, s18;
	s19 =	simm.s32 $0x10;
	[tilespmem:v8+s11+$0x0] =	vst.idx.msk vm0, v9;
	v8 =	vmov v7  }
.LBB2_9:
0x70: {  	p0 =	sne.s32 s19, $0x3F0;
	v9 =	vld [tilespmem:s20+$0x400];
	_ =	sdelay $0x4  }
0x71: {  	vm0 =	veq.f32 v9, v6  }
0x72: {  	v9 =	vmpcnt.ones.xlane vm0;
	v10 =	vsel vm0, $0x1, v0  }
0x73: {  	(xrf0) =	vadd.scan.msk.s32 $0xffff, v10  }
0x74: {  	v7 =	vadd.s32 v7, v9;
	_ =	sdelay $0x3  }
0x75: {  	v9 =	vsel vm0, $0xFFFFFFFF, v0  }
0x76: {  	v9 =	vadd.s32 v9, v8;
	v8 =	vmov v7;
	v10, _, _ =	vpop (xrf0)  }
0x77: {  	v9 =	vadd.s32 v10, v9  }
.Ltmp3:
0x78: {  	(pc) =	sbr.rel @p0 .LBB2_9-.Ltmp3, $3  }
0x79: {  	_ =	sdelay $0x1  }
0x7a: {  	v10 =	vor.u32 s18, v1;
	s18 =	smov.u32 s19  }
0x7b: {  	s19 =	sadd.s32 $0x10, s19;
	s20 =	sand.u32 $0x3F0, s18;
	[tilespmem:v9+s11+$0x0] =	vst.idx.msk vm0, v10  }
0x7c: {  	v9 =	vld [tilespmem:s20+$0x400];
	_ =	sdelay $0x4  }
0x7d: {  	vm0 =	veq.f32 v9, v6  }
0x7e: {  	v6 =	vsel vm0, $0x1, v0  }
0x7f: {  	(xrf0) =	vadd.scan.msk.s32 $0xffff, v6;
	_ =	sdelay $0x4  }
0x80: {  	v6 =	vsel vm0, $0xFFFFFFFF, v0  }
0x81: {  	v6 =	vadd.s32 v6, v8;
	v8, _, _ =	vpop (xrf0)  }
0x82: {  	v6 =	vadd.s32 v8, v6;
	_ =	sdelay $0x3  }
0x83: {  	v8 =	vor.u32 s18, v1  }
0x84: {  	v9 =	vmpcnt.ones.xlane vm0;
	[tilespmem:v6+s11+$0x0] =	vst.idx.msk vm0, v8  }
0x85: {  	v6 =	vld [tilespmem:$0x2080]  }
0x86: {  	v7 =	vadd.s32 v7, v9  }
0x87: {  	vm12 =	vgt.s32 v7, v1  }
0x88: {  	s31 =	sor.u32 $0x2, s17;
	v9 =	vsel vm12, $0x3F800000, v2;
	v8 =	vld [tilespmem:$0x2090]  }
0x89: {  	v10 =	vmov s31;
	vm13 =	vgt.s32 v7, v3;
	[tilespmem:$0x26C0] =	vst v9;
	v9 =	vld [tilespmem:$0x20A0]  }
0x8a: {  	v10 =	vand.u32 $0xFFFFFFFA, v10;
	vm15 =	vgt.s32 v7, v5;
	[tilespmem:$0x24C0] =	vst v6;
	v6 =	vsel vm13, $0x3F800000, v2  }
0x8b: {  	v10 =	vbroadcast v10, $0x0;
	vm14 =	vgt.s32 v7, v4;
	v7 =	vsel vm15, $0x3F800000, v2;
	[tilespmem:$0x26D0] =	vst v6;
	v6 =	vld [tilespmem:$0x20B0]  }
0x8c: {  	[tilespmem:$0x26F0] =	vst v7  }
0x8d: {  	[tilespmem:$0x24D0] =	vst v8  }
0x8e: {  	v8 =	vsel vm14, $0x3F800000, v2;
	[tilespmem:$0x24E0] =	vst v9  }
0x8f: {  	[tilespmem:$0x26E0] =	vst v8  }
0x90: {  	v7 =	vimm.s32 $0x0;
	[tilespmem:$0x24F0] =	vst v6  }
0x91: {  	v6 =	vld.idx.msk [tilespmem:v10+s9+$0x0], $0xffff;
	[tilespmem:$0x2080] =	vst v7  }
0x92: {  	[tilespmem:$0x2090] =	vst v7  }
0x93: {  	s18 =	simm.s32 $0x0;
	[tilespmem:$0x20A0] =	vst v7  }
0x94: {  	s20 =	simm.s32 $0x10;
	s19 =	simm.s32 $0x0;
	s21 =	sand.u32 $0x3F0, s18;
	v8 =	vimm.s32 $0x0;
	[tilespmem:$0x20B0] =	vst v7  }
.LBB2_11:
0x95: {  	p0 =	sne.s32 s20, $0x3F0;
	v9 =	vld [tilespmem:s21+$0x800];
	_ =	sdelay $0x4  }
0x96: {  	vm0 =	vlt.f32 v9, v6  }
0x97: {  	v9 =	vmpcnt.ones.xlane vm0;
	v10 =	vsel vm0, $0x1, v0  }
0x98: {  	(xrf0) =	vadd.scan.msk.s32 $0xffff, v10  }
0x99: {  	v7 =	vadd.s32 v7, v9;
	_ =	sdelay $0x3  }
0x9a: {  	v9 =	vsel vm0, $0xFFFFFFFF, v0  }
0x9b: {  	v9 =	vadd.s32 v9, v8;
	v8 =	vmov v7;
	v10, _, _ =	vpop (xrf0)  }
0x9c: {  	v9 =	vadd.s32 v10, v9  }
.Ltmp4:
0x9d: {  	(pc) =	sbr.rel @p0 .LBB2_11-.Ltmp4, $3  }
0x9e: {  	_ =	sdelay $0x1  }
0x9f: {  	v10 =	vor.u32 s19, v1;
	s19 =	smov.u32 s20  }
0xa0: {  	s20 =	sadd.s32 $0x10, s20;
	s21 =	sand.u32 $0x3F0, s19;
	[tilespmem:v9+s11+$0x0] =	vst.idx.msk vm0, v10  }
0xa1: {  	v9 =	vld [tilespmem:s21+$0x800];
	_ =	sdelay $0x4  }
0xa2: {  	vm0 =	vlt.f32 v9, v6  }
0xa3: {  	v9 =	vsel vm0, $0x1, v0  }
0xa4: {  	(xrf0) =	vadd.scan.msk.s32 $0xffff, v9;
	_ =	sdelay $0x2  }
0xa5: {  	v9 =	vsel vm0, $0xFFFFFFFF, v0;
	_ =	sdelay $0x2  }
0xa6: {  	v8 =	vadd.s32 v9, v8;
	v9, _, _ =	vpop (xrf0)  }
0xa7: {  	v8 =	vadd.s32 v9, v8;
	_ =	sdelay $0x1  }
0xa8: {  	v9 =	vmpcnt.ones.xlane vm0;
	_ =	sdelay $0x1  }
0xa9: {  	v7 =	vadd.s32 v7, v9;
	v9 =	vor.u32 s19, v1  }
0xaa: {  	s20 =	sand.u32 $0x3F0, s18;
	s19 =	simm.s32 $0x10;
	[tilespmem:v8+s11+$0x0] =	vst.idx.msk vm0, v9;
	v8 =	vmov v7  }
.LBB2_13:
0xab: {  	p0 =	sne.s32 s19, $0x3F0;
	v9 =	vld [tilespmem:s20+$0x800];
	_ =	sdelay $0x4  }
0xac: {  	vm0 =	veq.f32 v9, v6  }
0xad: {  	v9 =	vmpcnt.ones.xlane vm0;
	v10 =	vsel vm0, $0x1, v0  }
0xae: {  	(xrf0) =	vadd.scan.msk.s32 $0xffff, v10  }
0xaf: {  	v7 =	vadd.s32 v7, v9;
	_ =	sdelay $0x3  }
0xb0: {  	v9 =	vsel vm0, $0xFFFFFFFF, v0  }
0xb1: {  	v9 =	vadd.s32 v9, v8;
	v8 =	vmov v7;
	v10, _, _ =	vpop (xrf0)  }
0xb2: {  	v9 =	vadd.s32 v10, v9  }
.Ltmp5:
0xb3: {  	(pc) =	sbr.rel @p0 .LBB2_13-.Ltmp5, $3  }
0xb4: {  	_ =	sdelay $0x1  }
0xb5: {  	v10 =	vor.u32 s18, v1;
	s18 =	smov.u32 s19  }
0xb6: {  	s19 =	sadd.s32 $0x10, s19;
	s20 =	sand.u32 $0x3F0, s18;
	[tilespmem:v9+s11+$0x0] =	vst.idx.msk vm0, v10  }
0xb7: {  	v9 =	vld [tilespmem:s20+$0x800];
	_ =	sdelay $0x4  }
0xb8: {  	vm0 =	veq.f32 v9, v6  }
0xb9: {  	v6 =	vsel vm0, $0x1, v0  }
0xba: {  	(xrf0) =	vadd.scan.msk.s32 $0xffff, v6;
	_ =	sdelay $0x4  }
0xbb: {  	v6 =	vsel vm0, $0xFFFFFFFF, v0  }
0xbc: {  	v6 =	vadd.s32 v6, v8;
	v8, _, _ =	vpop (xrf0)  }
0xbd: {  	v6 =	vadd.s32 v8, v6;
	_ =	sdelay $0x3  }
0xbe: {  	v8 =	vor.u32 s18, v1  }
0xbf: {  	v9 =	vmpcnt.ones.xlane vm0;
	[tilespmem:v6+s11+$0x0] =	vst.idx.msk vm0, v8  }
0xc0: {  	v6 =	vld [tilespmem:$0x2080]  }
0xc1: {  	v7 =	vadd.s32 v7, v9  }
0xc2: {  	vm12 =	vgt.s32 v7, v1  }
0xc3: {  	s31 =	sor.u32 $0x3, s17;
	v9 =	vsel vm12, $0x3F800000, v2;
	v8 =	vld [tilespmem:$0x2090]  }
0xc4: {  	v10 =	vmov s31;
	vm13 =	vgt.s32 v7, v3;
	[tilespmem:$0x2700] =	vst v9;
	v9 =	vld [tilespmem:$0x20A0]  }
0xc5: {  	v10 =	vand.u32 $0xFFFFFFFB, v10;
	vm15 =	vgt.s32 v7, v5;
	[tilespmem:$0x2500] =	vst v6;
	v6 =	vsel vm13, $0x3F800000, v2  }
0xc6: {  	v10 =	vbroadcast v10, $0x0;
	vm14 =	vgt.s32 v7, v4;
	v7 =	vsel vm15, $0x3F800000, v2;
	[tilespmem:$0x2710] =	vst v6;
	v6 =	vld [tilespmem:$0x20B0]  }
0xc7: {  	[tilespmem:$0x2730] =	vst v7  }
0xc8: {  	[tilespmem:$0x2510] =	vst v8  }
0xc9: {  	v8 =	vsel vm14, $0x3F800000, v2;
	[tilespmem:$0x2520] =	vst v9  }
0xca: {  	[tilespmem:$0x2720] =	vst v8  }
0xcb: {  	v7 =	vimm.s32 $0x0;
	[tilespmem:$0x2530] =	vst v6  }
0xcc: {  	v6 =	vld.idx.msk [tilespmem:v10+s9+$0x0], $0xffff;
	[tilespmem:$0x2080] =	vst v7  }
0xcd: {  	[tilespmem:$0x2090] =	vst v7  }
0xce: {  	s18 =	simm.s32 $0x0;
	[tilespmem:$0x20A0] =	vst v7  }
0xcf: {  	s20 =	simm.s32 $0x10;
	s19 =	simm.s32 $0x0;
	s21 =	sand.u32 $0x3F0, s18;
	v8 =	vimm.s32 $0x0;
	[tilespmem:$0x20B0] =	vst v7  }
.LBB2_15:
0xd0: {  	p0 =	sne.s32 s20, $0x3F0;
	v9 =	vld [tilespmem:s21+$0xC00];
	_ =	sdelay $0x4  }
0xd1: {  	vm0 =	vlt.f32 v9, v6  }
0xd2: {  	v9 =	vmpcnt.ones.xlane vm0;
	v10 =	vsel vm0, $0x1, v0  }
0xd3: {  	(xrf0) =	vadd.scan.msk.s32 $0xffff, v10  }
0xd4: {  	v7 =	vadd.s32 v7, v9;
	_ =	sdelay $0x3  }
0xd5: {  	v9 =	vsel vm0, $0xFFFFFFFF, v0  }
0xd6: {  	v9 =	vadd.s32 v9, v8;
	v8 =	vmov v7;
	v10, _, _ =	vpop (xrf0)  }
0xd7: {  	v9 =	vadd.s32 v10, v9  }
.Ltmp6:
0xd8: {  	(pc) =	sbr.rel @p0 .LBB2_15-.Ltmp6, $3  }
0xd9: {  	_ =	sdelay $0x1  }
0xda: {  	v10 =	vor.u32 s19, v1;
	s19 =	smov.u32 s20  }
0xdb: {  	s20 =	sadd.s32 $0x10, s20;
	s21 =	sand.u32 $0x3F0, s19;
	[tilespmem:v9+s11+$0x0] =	vst.idx.msk vm0, v10  }
0xdc: {  	v9 =	vld [tilespmem:s21+$0xC00];
	_ =	sdelay $0x4  }
0xdd: {  	vm0 =	vlt.f32 v9, v6  }
0xde: {  	v9 =	vsel vm0, $0x1, v0  }
0xdf: {  	(xrf0) =	vadd.scan.msk.s32 $0xffff, v9;
	_ =	sdelay $0x2  }
0xe0: {  	v9 =	vsel vm0, $0xFFFFFFFF, v0;
	_ =	sdelay $0x2  }
0xe1: {  	v8 =	vadd.s32 v9, v8;
	v9, _, _ =	vpop (xrf0)  }
0xe2: {  	v8 =	vadd.s32 v9, v8;
	_ =	sdelay $0x1  }
0xe3: {  	v9 =	vmpcnt.ones.xlane vm0;
	_ =	sdelay $0x1  }
0xe4: {  	v7 =	vadd.s32 v7, v9;
	v9 =	vor.u32 s19, v1  }
0xe5: {  	s20 =	sand.u32 $0x3F0, s18;
	s19 =	simm.s32 $0x10;
	[tilespmem:v8+s11+$0x0] =	vst.idx.msk vm0, v9;
	v8 =	vmov v7  }
.LBB2_17:
0xe6: {  	p0 =	sne.s32 s19, $0x3F0;
	v9 =	vld [tilespmem:s20+$0xC00];
	_ =	sdelay $0x4  }
0xe7: {  	vm0 =	veq.f32 v9, v6  }
0xe8: {  	v9 =	vmpcnt.ones.xlane vm0;
	v10 =	vsel vm0, $0x1, v0  }
0xe9: {  	(xrf0) =	vadd.scan.msk.s32 $0xffff, v10  }
0xea: {  	v7 =	vadd.s32 v7, v9;
	_ =	sdelay $0x3  }
0xeb: {  	v9 =	vsel vm0, $0xFFFFFFFF, v0  }
0xec: {  	v9 =	vadd.s32 v9, v8;
	v8 =	vmov v7;
	v10, _, _ =	vpop (xrf0)  }
0xed: {  	v9 =	vadd.s32 v10, v9  }
.Ltmp7:
0xee: {  	(pc) =	sbr.rel @p0 .LBB2_17-.Ltmp7, $3  }
0xef: {  	_ =	sdelay $0x1  }
0xf0: {  	v10 =	vor.u32 s18, v1;
	s18 =	smov.u32 s19  }
0xf1: {  	s19 =	sadd.s32 $0x10, s19;
	s20 =	sand.u32 $0x3F0, s18;
	[tilespmem:v9+s11+$0x0] =	vst.idx.msk vm0, v10  }
0xf2: {  	v9 =	vld [tilespmem:s20+$0xC00];
	_ =	sdelay $0x4  }
0xf3: {  	vm0 =	veq.f32 v9, v6  }
0xf4: {  	v6 =	vsel vm0, $0x1, v0  }
0xf5: {  	(xrf0) =	vadd.scan.msk.s32 $0xffff, v6;
	_ =	sdelay $0x4  }
0xf6: {  	v6 =	vsel vm0, $0xFFFFFFFF, v0  }
0xf7: {  	v6 =	vadd.s32 v6, v8;
	v8, _, _ =	vpop (xrf0)  }
0xf8: {  	v6 =	vadd.s32 v8, v6;
	_ =	sdelay $0x3  }
0xf9: {  	v8 =	vor.u32 s18, v1  }
0xfa: {  	v9 =	vmpcnt.ones.xlane vm0;
	[tilespmem:v6+s11+$0x0] =	vst.idx.msk vm0, v8  }
0xfb: {  	v6 =	vld [tilespmem:$0x2080]  }
0xfc: {  	v7 =	vadd.s32 v7, v9  }
0xfd: {  	vm12 =	vgt.s32 v7, v1  }
0xfe: {  	s31 =	sor.u32 $0x4, s17;
	v9 =	vsel vm12, $0x3F800000, v2;
	v8 =	vld [tilespmem:$0x2090]  }
0xff: {  	v10 =	vmov s31;
	vm13 =	vgt.s32 v7, v3;
	[tilespmem:$0x2740] =	vst v9;
	v9 =	vld [tilespmem:$0x20A0]  }
0x100: {  	v10 =	vand.u32 $0xFFFFFFFC, v10;
	vm15 =	vgt.s32 v7, v5;
	[tilespmem:$0x2540] =	vst v6;
	v6 =	vsel vm13, $0x3F800000, v2  }
0x101: {  	v10 =	vbroadcast v10, $0x0;
	vm14 =	vgt.s32 v7, v4;
	v7 =	vsel vm15, $0x3F800000, v2;
	[tilespmem:$0x2750] =	vst v6;
	v6 =	vld [tilespmem:$0x20B0]  }
0x102: {  	[tilespmem:$0x2770] =	vst v7  }
0x103: {  	[tilespmem:$0x2550] =	vst v8  }
0x104: {  	v8 =	vsel vm14, $0x3F800000, v2;
	[tilespmem:$0x2560] =	vst v9  }
0x105: {  	[tilespmem:$0x2760] =	vst v8  }
0x106: {  	v7 =	vimm.s32 $0x0;
	[tilespmem:$0x2570] =	vst v6  }
0x107: {  	v6 =	vld.idx.msk [tilespmem:v10+s9+$0x0], $0xffff;
	[tilespmem:$0x2080] =	vst v7  }
0x108: {  	[tilespmem:$0x2090] =	vst v7  }
0x109: {  	s18 =	simm.s32 $0x0;
	[tilespmem:$0x20A0] =	vst v7  }
0x10a: {  	s20 =	simm.s32 $0x10;
	s19 =	simm.s32 $0x0;
	s21 =	sand.u32 $0x3F0, s18;
	v8 =	vimm.s32 $0x0;
	[tilespmem:$0x20B0] =	vst v7  }
.LBB2_19:
0x10b: {  	p0 =	sne.s32 s20, $0x3F0;
	v9 =	vld [tilespmem:s21+$0x1000];
	_ =	sdelay $0x4  }
0x10c: {  	vm0 =	vlt.f32 v9, v6  }
0x10d: {  	v9 =	vmpcnt.ones.xlane vm0;
	v10 =	vsel vm0, $0x1, v0  }
0x10e: {  	(xrf0) =	vadd.scan.msk.s32 $0xffff, v10  }
0x10f: {  	v7 =	vadd.s32 v7, v9;
	_ =	sdelay $0x3  }
0x110: {  	v9 =	vsel vm0, $0xFFFFFFFF, v0  }
0x111: {  	v9 =	vadd.s32 v9, v8;
	v8 =	vmov v7;
	v10, _, _ =	vpop (xrf0)  }
0x112: {  	v9 =	vadd.s32 v10, v9  }
.Ltmp8:
0x113: {  	(pc) =	sbr.rel @p0 .LBB2_19-.Ltmp8, $3  }
0x114: {  	_ =	sdelay $0x1  }
0x115: {  	v10 =	vor.u32 s19, v1;
	s19 =	smov.u32 s20  }
0x116: {  	s20 =	sadd.s32 $0x10, s20;
	s21 =	sand.u32 $0x3F0, s19;
	[tilespmem:v9+s11+$0x0] =	vst.idx.msk vm0, v10  }
0x117: {  	v9 =	vld [tilespmem:s21+$0x1000];
	_ =	sdelay $0x4  }
0x118: {  	vm0 =	vlt.f32 v9, v6  }
0x119: {  	v9 =	vsel vm0, $0x1, v0  }
0x11a: {  	(xrf0) =	vadd.scan.msk.s32 $0xffff, v9;
	_ =	sdelay $0x2  }
0x11b: {  	v9 =	vsel vm0, $0xFFFFFFFF, v0;
	_ =	sdelay $0x2  }
0x11c: {  	v8 =	vadd.s32 v9, v8;
	v9, _, _ =	vpop (xrf0)  }
0x11d: {  	v8 =	vadd.s32 v9, v8;
	_ =	sdelay $0x1  }
0x11e: {  	v9 =	vmpcnt.ones.xlane vm0;
	_ =	sdelay $0x1  }
0x11f: {  	v7 =	vadd.s32 v7, v9;
	v9 =	vor.u32 s19, v1  }
0x120: {  	s20 =	sand.u32 $0x3F0, s18;
	s19 =	simm.s32 $0x10;
	[tilespmem:v8+s11+$0x0] =	vst.idx.msk vm0, v9;
	v8 =	vmov v7  }
.LBB2_21:
0x121: {  	p0 =	sne.s32 s19, $0x3F0;
	v9 =	vld [tilespmem:s20+$0x1000];
	_ =	sdelay $0x4  }
0x122: {  	vm0 =	veq.f32 v9, v6  }
0x123: {  	v9 =	vmpcnt.ones.xlane vm0;
	v10 =	vsel vm0, $0x1, v0  }
0x124: {  	(xrf0) =	vadd.scan.msk.s32 $0xffff, v10  }
0x125: {  	v7 =	vadd.s32 v7, v9;
	_ =	sdelay $0x3  }
0x126: {  	v9 =	vsel vm0, $0xFFFFFFFF, v0  }
0x127: {  	v9 =	vadd.s32 v9, v8;
	v8 =	vmov v7;
	v10, _, _ =	vpop (xrf0)  }
0x128: {  	v9 =	vadd.s32 v10, v9  }
.Ltmp9:
0x129: {  	(pc) =	sbr.rel @p0 .LBB2_21-.Ltmp9, $3  }
0x12a: {  	_ =	sdelay $0x1  }
0x12b: {  	v10 =	vor.u32 s18, v1;
	s18 =	smov.u32 s19  }
0x12c: {  	s19 =	sadd.s32 $0x10, s19;
	s20 =	sand.u32 $0x3F0, s18;
	[tilespmem:v9+s11+$0x0] =	vst.idx.msk vm0, v10  }
0x12d: {  	v9 =	vld [tilespmem:s20+$0x1000];
	_ =	sdelay $0x4  }
0x12e: {  	vm0 =	veq.f32 v9, v6  }
0x12f: {  	v6 =	vsel vm0, $0x1, v0  }
0x130: {  	(xrf0) =	vadd.scan.msk.s32 $0xffff, v6;
	_ =	sdelay $0x4  }
0x131: {  	v6 =	vsel vm0, $0xFFFFFFFF, v0  }
0x132: {  	v6 =	vadd.s32 v6, v8;
	v8, _, _ =	vpop (xrf0)  }
0x133: {  	v6 =	vadd.s32 v8, v6;
	_ =	sdelay $0x3  }
0x134: {  	v8 =	vor.u32 s18, v1  }
0x135: {  	v9 =	vmpcnt.ones.xlane vm0;
	[tilespmem:v6+s11+$0x0] =	vst.idx.msk vm0, v8  }
0x136: {  	v6 =	vld [tilespmem:$0x2080]  }
0x137: {  	v7 =	vadd.s32 v7, v9  }
0x138: {  	vm12 =	vgt.s32 v7, v1  }
0x139: {  	s31 =	sor.u32 $0x5, s17;
	v9 =	vsel vm12, $0x3F800000, v2;
	v8 =	vld [tilespmem:$0x2090]  }
0x13a: {  	v10 =	vmov s31;
	vm13 =	vgt.s32 v7, v3;
	[tilespmem:$0x2780] =	vst v9;
	v9 =	vld [tilespmem:$0x20A0]  }
0x13b: {  	v10 =	vand.u32 $0xFFFFFFFD, v10;
	vm15 =	vgt.s32 v7, v5;
	[tilespmem:$0x2580] =	vst v6;
	v6 =	vsel vm13, $0x3F800000, v2  }
0x13c: {  	v10 =	vbroadcast v10, $0x0;
	vm14 =	vgt.s32 v7, v4;
	v7 =	vsel vm15, $0x3F800000, v2;
	[tilespmem:$0x2790] =	vst v6;
	v6 =	vld [tilespmem:$0x20B0]  }
0x13d: {  	[tilespmem:$0x27B0] =	vst v7  }
0x13e: {  	[tilespmem:$0x2590] =	vst v8  }
0x13f: {  	v8 =	vsel vm14, $0x3F800000, v2;
	[tilespmem:$0x25A0] =	vst v9  }
0x140: {  	[tilespmem:$0x27A0] =	vst v8  }
0x141: {  	v7 =	vimm.s32 $0x0;
	[tilespmem:$0x25B0] =	vst v6  }
0x142: {  	v6 =	vld.idx.msk [tilespmem:v10+s9+$0x0], $0xffff;
	[tilespmem:$0x2080] =	vst v7  }
0x143: {  	[tilespmem:$0x2090] =	vst v7  }
0x144: {  	s18 =	simm.s32 $0x0;
	[tilespmem:$0x20A0] =	vst v7  }
0x145: {  	s20 =	simm.s32 $0x10;
	s19 =	simm.s32 $0x0;
	s21 =	sand.u32 $0x3F0, s18;
	v8 =	vimm.s32 $0x0;
	[tilespmem:$0x20B0] =	vst v7  }
.LBB2_23:
0x146: {  	p0 =	sne.s32 s20, $0x3F0;
	v9 =	vld [tilespmem:s21+$0x1400];
	_ =	sdelay $0x4  }
0x147: {  	vm0 =	vlt.f32 v9, v6  }
0x148: {  	v9 =	vmpcnt.ones.xlane vm0;
	v10 =	vsel vm0, $0x1, v0  }
0x149: {  	(xrf0) =	vadd.scan.msk.s32 $0xffff, v10  }
0x14a: {  	v7 =	vadd.s32 v7, v9;
	_ =	sdelay $0x3  }
0x14b: {  	v9 =	vsel vm0, $0xFFFFFFFF, v0  }
0x14c: {  	v9 =	vadd.s32 v9, v8;
	v8 =	vmov v7;
	v10, _, _ =	vpop (xrf0)  }
0x14d: {  	v9 =	vadd.s32 v10, v9  }
.Ltmp10:
0x14e: {  	(pc) =	sbr.rel @p0 .LBB2_23-.Ltmp10, $3  }
0x14f: {  	_ =	sdelay $0x1  }
0x150: {  	v10 =	vor.u32 s19, v1;
	s19 =	smov.u32 s20  }
0x151: {  	s20 =	sadd.s32 $0x10, s20;
	s21 =	sand.u32 $0x3F0, s19;
	[tilespmem:v9+s11+$0x0] =	vst.idx.msk vm0, v10  }
0x152: {  	v9 =	vld [tilespmem:s21+$0x1400];
	_ =	sdelay $0x4  }
0x153: {  	vm0 =	vlt.f32 v9, v6  }
0x154: {  	v9 =	vsel vm0, $0x1, v0  }
0x155: {  	(xrf0) =	vadd.scan.msk.s32 $0xffff, v9;
	_ =	sdelay $0x2  }
0x156: {  	v9 =	vsel vm0, $0xFFFFFFFF, v0;
	_ =	sdelay $0x2  }
0x157: {  	v8 =	vadd.s32 v9, v8;
	v9, _, _ =	vpop (xrf0)  }
0x158: {  	v8 =	vadd.s32 v9, v8;
	_ =	sdelay $0x1  }
0x159: {  	v9 =	vmpcnt.ones.xlane vm0;
	_ =	sdelay $0x1  }
0x15a: {  	v7 =	vadd.s32 v7, v9;
	v9 =	vor.u32 s19, v1  }
0x15b: {  	s20 =	sand.u32 $0x3F0, s18;
	s19 =	simm.s32 $0x10;
	[tilespmem:v8+s11+$0x0] =	vst.idx.msk vm0, v9;
	v8 =	vmov v7  }
.LBB2_25:
0x15c: {  	p0 =	sne.s32 s19, $0x3F0;
	v9 =	vld [tilespmem:s20+$0x1400];
	_ =	sdelay $0x4  }
0x15d: {  	vm0 =	veq.f32 v9, v6  }
0x15e: {  	v9 =	vmpcnt.ones.xlane vm0;
	v10 =	vsel vm0, $0x1, v0  }
0x15f: {  	(xrf0) =	vadd.scan.msk.s32 $0xffff, v10  }
0x160: {  	v7 =	vadd.s32 v7, v9;
	_ =	sdelay $0x3  }
0x161: {  	v9 =	vsel vm0, $0xFFFFFFFF, v0  }
0x162: {  	v9 =	vadd.s32 v9, v8;
	v8 =	vmov v7;
	v10, _, _ =	vpop (xrf0)  }
0x163: {  	v9 =	vadd.s32 v10, v9  }
.Ltmp11:
0x164: {  	(pc) =	sbr.rel @p0 .LBB2_25-.Ltmp11, $3  }
0x165: {  	_ =	sdelay $0x1  }
0x166: {  	v10 =	vor.u32 s18, v1;
	s18 =	smov.u32 s19  }
0x167: {  	s19 =	sadd.s32 $0x10, s19;
	s20 =	sand.u32 $0x3F0, s18;
	[tilespmem:v9+s11+$0x0] =	vst.idx.msk vm0, v10  }
0x168: {  	v9 =	vld [tilespmem:s20+$0x1400];
	_ =	sdelay $0x4  }
0x169: {  	vm0 =	veq.f32 v9, v6  }
0x16a: {  	v6 =	vsel vm0, $0x1, v0  }
0x16b: {  	(xrf0) =	vadd.scan.msk.s32 $0xffff, v6;
	_ =	sdelay $0x4  }
0x16c: {  	v6 =	vsel vm0, $0xFFFFFFFF, v0  }
0x16d: {  	v6 =	vadd.s32 v6, v8;
	v8, _, _ =	vpop (xrf0)  }
0x16e: {  	v6 =	vadd.s32 v8, v6;
	_ =	sdelay $0x3  }
0x16f: {  	v8 =	vor.u32 s18, v1  }
0x170: {  	v9 =	vmpcnt.ones.xlane vm0;
	[tilespmem:v6+s11+$0x0] =	vst.idx.msk vm0, v8  }
0x171: {  	v6 =	vld [tilespmem:$0x2080]  }
0x172: {  	v7 =	vadd.s32 v7, v9  }
0x173: {  	vm12 =	vgt.s32 v7, v1  }
0x174: {  	s31 =	sor.u32 $0x6, s17;
	v9 =	vsel vm12, $0x3F800000, v2;
	v8 =	vld [tilespmem:$0x2090]  }
0x175: {  	v10 =	vmov s31;
	vm13 =	vgt.s32 v7, v3;
	[tilespmem:$0x27C0] =	vst v9;
	v9 =	vld [tilespmem:$0x20A0]  }
0x176: {  	v10 =	vand.u32 $0xFFFFFFFE, v10;
	vm15 =	vgt.s32 v7, v5;
	[tilespmem:$0x25C0] =	vst v6;
	v6 =	vsel vm13, $0x3F800000, v2  }
0x177: {  	v10 =	vbroadcast v10, $0x0;
	vm14 =	vgt.s32 v7, v4;
	v7 =	vsel vm15, $0x3F800000, v2;
	[tilespmem:$0x27D0] =	vst v6;
	v6 =	vld [tilespmem:$0x20B0]  }
0x178: {  	[tilespmem:$0x27F0] =	vst v7  }
0x179: {  	[tilespmem:$0x25D0] =	vst v8  }
0x17a: {  	v8 =	vsel vm14, $0x3F800000, v2;
	[tilespmem:$0x25E0] =	vst v9  }
0x17b: {  	[tilespmem:$0x27E0] =	vst v8  }
0x17c: {  	v7 =	vimm.s32 $0x0;
	[tilespmem:$0x25F0] =	vst v6  }
0x17d: {  	v6 =	vld.idx.msk [tilespmem:v10+s9+$0x0], $0xffff;
	[tilespmem:$0x2080] =	vst v7  }
0x17e: {  	[tilespmem:$0x2090] =	vst v7  }
0x17f: {  	s18 =	simm.s32 $0x0;
	[tilespmem:$0x20A0] =	vst v7  }
0x180: {  	s20 =	simm.s32 $0x10;
	s19 =	simm.s32 $0x0;
	s21 =	sand.u32 $0x3F0, s18;
	v8 =	vimm.s32 $0x0;
	[tilespmem:$0x20B0] =	vst v7  }
.LBB2_27:
0x181: {  	p0 =	sne.s32 s20, $0x3F0;
	v9 =	vld [tilespmem:s21+$0x1800];
	_ =	sdelay $0x4  }
0x182: {  	vm0 =	vlt.f32 v9, v6  }
0x183: {  	v9 =	vmpcnt.ones.xlane vm0;
	v10 =	vsel vm0, $0x1, v0  }
0x184: {  	(xrf0) =	vadd.scan.msk.s32 $0xffff, v10  }
0x185: {  	v7 =	vadd.s32 v7, v9;
	_ =	sdelay $0x3  }
0x186: {  	v9 =	vsel vm0, $0xFFFFFFFF, v0  }
0x187: {  	v9 =	vadd.s32 v9, v8;
	v8 =	vmov v7;
	v10, _, _ =	vpop (xrf0)  }
0x188: {  	v9 =	vadd.s32 v10, v9  }
.Ltmp12:
0x189: {  	(pc) =	sbr.rel @p0 .LBB2_27-.Ltmp12, $3  }
0x18a: {  	_ =	sdelay $0x1  }
0x18b: {  	v10 =	vor.u32 s19, v1;
	s19 =	smov.u32 s20  }
0x18c: {  	s20 =	sadd.s32 $0x10, s20;
	s21 =	sand.u32 $0x3F0, s19;
	[tilespmem:v9+s11+$0x0] =	vst.idx.msk vm0, v10  }
0x18d: {  	v9 =	vld [tilespmem:s21+$0x1800];
	_ =	sdelay $0x4  }
0x18e: {  	vm0 =	vlt.f32 v9, v6  }
0x18f: {  	v9 =	vsel vm0, $0x1, v0  }
0x190: {  	(xrf0) =	vadd.scan.msk.s32 $0xffff, v9;
	_ =	sdelay $0x2  }
0x191: {  	v9 =	vsel vm0, $0xFFFFFFFF, v0;
	_ =	sdelay $0x2  }
0x192: {  	v8 =	vadd.s32 v9, v8;
	v9, _, _ =	vpop (xrf0)  }
0x193: {  	v8 =	vadd.s32 v9, v8;
	_ =	sdelay $0x1  }
0x194: {  	v9 =	vmpcnt.ones.xlane vm0;
	_ =	sdelay $0x1  }
0x195: {  	v7 =	vadd.s32 v7, v9;
	v9 =	vor.u32 s19, v1  }
0x196: {  	s20 =	sand.u32 $0x3F0, s18;
	s19 =	simm.s32 $0x10;
	[tilespmem:v8+s11+$0x0] =	vst.idx.msk vm0, v9;
	v8 =	vmov v7  }
.LBB2_29:
0x197: {  	p0 =	sne.s32 s19, $0x3F0;
	v9 =	vld [tilespmem:s20+$0x1800];
	_ =	sdelay $0x4  }
0x198: {  	vm0 =	veq.f32 v9, v6  }
0x199: {  	v9 =	vmpcnt.ones.xlane vm0;
	v10 =	vsel vm0, $0x1, v0  }
0x19a: {  	(xrf0) =	vadd.scan.msk.s32 $0xffff, v10  }
0x19b: {  	v7 =	vadd.s32 v7, v9;
	_ =	sdelay $0x3  }
0x19c: {  	v9 =	vsel vm0, $0xFFFFFFFF, v0  }
0x19d: {  	v9 =	vadd.s32 v9, v8;
	v8 =	vmov v7;
	v10, _, _ =	vpop (xrf0)  }
0x19e: {  	v9 =	vadd.s32 v10, v9  }
.Ltmp13:
0x19f: {  	(pc) =	sbr.rel @p0 .LBB2_29-.Ltmp13, $3  }
0x1a0: {  	_ =	sdelay $0x1  }
0x1a1: {  	v10 =	vor.u32 s18, v1;
	s18 =	smov.u32 s19  }
0x1a2: {  	s19 =	sadd.s32 $0x10, s19;
	s20 =	sand.u32 $0x3F0, s18;
	[tilespmem:v9+s11+$0x0] =	vst.idx.msk vm0, v10  }
0x1a3: {  	v9 =	vld [tilespmem:s20+$0x1800];
	_ =	sdelay $0x4  }
0x1a4: {  	vm0 =	veq.f32 v9, v6  }
0x1a5: {  	v6 =	vsel vm0, $0x1, v0  }
0x1a6: {  	(xrf0) =	vadd.scan.msk.s32 $0xffff, v6;
	_ =	sdelay $0x4  }
0x1a7: {  	v6 =	vsel vm0, $0xFFFFFFFF, v0  }
0x1a8: {  	v6 =	vadd.s32 v6, v8;
	v8, _, _ =	vpop (xrf0)  }
0x1a9: {  	v6 =	vadd.s32 v8, v6;
	_ =	sdelay $0x3  }
0x1aa: {  	v8 =	vor.u32 s18, v1  }
0x1ab: {  	v9 =	vmpcnt.ones.xlane vm0;
	[tilespmem:v6+s11+$0x0] =	vst.idx.msk vm0, v8  }
0x1ac: {  	v6 =	vld [tilespmem:$0x2080]  }
0x1ad: {  	v7 =	vadd.s32 v7, v9  }
0x1ae: {  	vm12 =	vgt.s32 v7, v1  }
0x1af: {  	v9 =	vsel vm12, $0x3F800000, v2;
	v8 =	vld [tilespmem:$0x2090]  }
0x1b0: {  	vm13 =	vgt.s32 v7, v3;
	[tilespmem:$0x2800] =	vst v9;
	v9 =	vld [tilespmem:$0x20A0]  }
0x1b1: {  	vm15 =	vgt.s32 v7, v5;
	[tilespmem:$0x2600] =	vst v6;
	v6 =	vsel vm13, $0x3F800000, v2  }
0x1b2: {  	s17 =	sor.u32 $0x7, s17;
	vm14 =	vgt.s32 v7, v4;
	v7 =	vsel vm15, $0x3F800000, v2;
	[tilespmem:$0x2810] =	vst v6;
	v6 =	vld [tilespmem:$0x20B0]  }
0x1b3: {  	v10 =	vmov s17;
	[tilespmem:$0x2830] =	vst v7  }
0x1b4: {  	[tilespmem:$0x2610] =	vst v8  }
0x1b5: {  	v8 =	vsel vm14, $0x3F800000, v2;
	[tilespmem:$0x2620] =	vst v9  }
0x1b6: {  	[tilespmem:$0x2820] =	vst v8  }
0x1b7: {  	v7 =	vimm.s32 $0x0;
	[tilespmem:$0x2630] =	vst v6  }
0x1b8: {  	v6 =	vld.idx.msk [tilespmem:v10+s9+$0x0], $0xffff;
	[tilespmem:$0x2080] =	vst v7  }
0x1b9: {  	[tilespmem:$0x2090] =	vst v7  }
0x1ba: {  	s17 =	simm.s32 $0x0;
	[tilespmem:$0x20A0] =	vst v7  }
0x1bb: {  	s19 =	simm.s32 $0x10;
	s20 =	sand.u32 $0x3F0, s17;
	s18 =	simm.s32 $0x0;
	v8 =	vimm.s32 $0x0;
	[tilespmem:$0x20B0] =	vst v7  }
.LBB2_31:
0x1bc: {  	p0 =	sne.s32 s19, $0x3F0;
	v9 =	vld [tilespmem:s20+$0x1C00];
	_ =	sdelay $0x4  }
0x1bd: {  	vm0 =	vlt.f32 v9, v6  }
0x1be: {  	v9 =	vmpcnt.ones.xlane vm0;
	v10 =	vsel vm0, $0x1, v0  }
0x1bf: {  	(xrf0) =	vadd.scan.msk.s32 $0xffff, v10  }
0x1c0: {  	v7 =	vadd.s32 v7, v9;
	_ =	sdelay $0x3  }
0x1c1: {  	v9 =	vsel vm0, $0xFFFFFFFF, v0  }
0x1c2: {  	v9 =	vadd.s32 v9, v8;
	v8 =	vmov v7;
	v10, _, _ =	vpop (xrf0)  }
0x1c3: {  	v9 =	vadd.s32 v10, v9  }
.Ltmp14:
0x1c4: {  	(pc) =	sbr.rel @p0 .LBB2_31-.Ltmp14, $3  }
0x1c5: {  	_ =	sdelay $0x1  }
0x1c6: {  	v10 =	vor.u32 s18, v1;
	s18 =	smov.u32 s19  }
0x1c7: {  	s19 =	sadd.s32 $0x10, s19;
	s20 =	sand.u32 $0x3F0, s18;
	[tilespmem:v9+s11+$0x0] =	vst.idx.msk vm0, v10  }
0x1c8: {  	v9 =	vld [tilespmem:s20+$0x1C00];
	_ =	sdelay $0x4  }
0x1c9: {  	vm0 =	vlt.f32 v9, v6  }
0x1ca: {  	v9 =	vsel vm0, $0x1, v0  }
0x1cb: {  	(xrf0) =	vadd.scan.msk.s32 $0xffff, v9;
	_ =	sdelay $0x2  }
0x1cc: {  	v9 =	vsel vm0, $0xFFFFFFFF, v0;
	_ =	sdelay $0x2  }
0x1cd: {  	v8 =	vadd.s32 v9, v8;
	v9, _, _ =	vpop (xrf0)  }
0x1ce: {  	v8 =	vadd.s32 v9, v8;
	_ =	sdelay $0x1  }
0x1cf: {  	v9 =	vmpcnt.ones.xlane vm0;
	_ =	sdelay $0x1  }
0x1d0: {  	v7 =	vadd.s32 v7, v9;
	v9 =	vor.u32 s18, v1  }
0x1d1: {  	s19 =	sand.u32 $0x3F0, s17;
	s18 =	simm.s32 $0x10;
	[tilespmem:v8+s11+$0x0] =	vst.idx.msk vm0, v9;
	v8 =	vmov v7  }
.LBB2_33:
0x1d2: {  	p0 =	sne.s32 s18, $0x3F0;
	v9 =	vld [tilespmem:s19+$0x1C00];
	_ =	sdelay $0x4  }
0x1d3: {  	vm0 =	veq.f32 v9, v6  }
0x1d4: {  	v9 =	vmpcnt.ones.xlane vm0;
	v10 =	vsel vm0, $0x1, v0  }
0x1d5: {  	(xrf0) =	vadd.scan.msk.s32 $0xffff, v10  }
0x1d6: {  	v7 =	vadd.s32 v7, v9;
	_ =	sdelay $0x3  }
0x1d7: {  	v9 =	vsel vm0, $0xFFFFFFFF, v0  }
0x1d8: {  	v9 =	vadd.s32 v9, v8;
	v8 =	vmov v7;
	v10, _, _ =	vpop (xrf0)  }
0x1d9: {  	v9 =	vadd.s32 v10, v9  }
.Ltmp15:
0x1da: {  	(pc) =	sbr.rel @p0 .LBB2_33-.Ltmp15, $3  }
0x1db: {  	_ =	sdelay $0x1  }
0x1dc: {  	v10 =	vor.u32 s17, v1;
	s17 =	smov.u32 s18  }
0x1dd: {  	s18 =	sadd.s32 $0x10, s18;
	s19 =	sand.u32 $0x3F0, s17;
	[tilespmem:v9+s11+$0x0] =	vst.idx.msk vm0, v10  }
0x1de: {  	v9 =	vld [tilespmem:s19+$0x1C00];
	_ =	sdelay $0x4  }
0x1df: {  	vm0 =	veq.f32 v9, v6  }
0x1e0: {  	v6 =	vsel vm0, $0x1, v0  }
0x1e1: {  	(xrf0) =	vadd.scan.msk.s32 $0xffff, v6;
	_ =	sdelay $0x4  }
0x1e2: {  	v6 =	vsel vm0, $0xFFFFFFFF, v0  }
0x1e3: {  	v6 =	vadd.s32 v6, v8;
	v59, _, _ =	vpop (xrf0)  }
0x1e4: {  	v6 =	vadd.s32 v59, v6;
	_ =	sdelay $0x3  }
0x1e5: {  	v60 =	vor.u32 s17, v1  }
0x1e6: {  	v9 =	vmpcnt.ones.xlane vm0;
	[tilespmem:v6+s11+$0x0] =	vst.idx.msk vm0, v60  }
0x1e7: {  	v6 =	vld [tilespmem:$0x2080]  }
0x1e8: {  	v7 =	vadd.s32 v7, v9  }
0x1e9: {  	vm12 =	vgt.s32 v7, v1  }
0x1ea: {  	v61 =	vsel vm12, $0x3F800000, v2  }
0x1eb: {  	vm13 =	vgt.s32 v7, v3;
	v8 =	vld [tilespmem:$0x2090];
	[tilespmem:$0x2840] =	vst v61  }
0x1ec: {  	vm14 =	vgt.s32 v7, v4;
	v62 =	vld [tilespmem:$0x20A0];
	[tilespmem:$0x2640] =	vst v6;
	v6 =	vsel vm13, $0x3F800000, v2  }
0x1ed: {  	vm15 =	vgt.s32 v7, v5;
	v63 =	vsel vm14, $0x3F800000, v2;
	[tilespmem:$0x2850] =	vst v6;
	v6 =	vld [tilespmem:$0x20B0]  }
0x1ee: {  	v7 =	vsel vm15, $0x3F800000, v2;
	[tilespmem:$0x2860] =	vst v63  }
0x1ef: {  	[tilespmem:$0x2870] =	vst v7  }
0x1f0: {  	[tilespmem:$0x2650] =	vst v8  }
0x1f1: {  	s16 =	sshll.u32 s16, $0x3;
	[tilespmem:$0x2660] =	vst v62  }
0x1f2: {  	s31 =	sadd.s32 s2, s16;
	[tilespmem:$0x2670] =	vst v6  }
0x1f3: {  	[hbm4b:s31+s3] =	stream.linear.scatter [tilespmem:s12], [sflag:$0x1], $0x200, $0x38;
	[tilespmem:$0x2880] =	vst v63  }
0x1f4: {  	s15 =	sadd.s32 $0x1, s15;
	_ =	swait.ge [sflag:s10], $0x200  }
0x1f5: {  	p0 =	sne.s32 s15, $0x8;
	[sflag:s10] =	ssyncset.done $0x0  }
.Ltmp16:
0x1f6: {  	s16 =	sadd.s32 s6, s16;
	[sflag:s10] =	ssyncadd.s32 $0xFFFFFE00;
	(pc) =	sbr.rel @p0 .LBB2_2-.Ltmp16, $4  }
0x1f7: {  	[hbm4b:s16+s3] =	stream.linear.scatter [tilespmem:s13], [sflag:$0x1], $0x200, $0x38;
	[tilespmem:$0x2880] =	vst v63  }
0x1f8: {  	_ =	swait.ge [sflag:s10], $0x200  }
0x1f9: {  	[sflag:s10] =	ssyncset.done $0x0  }
0x1fa: {  	[sflag:s10] =	ssyncadd.s32 $0xFFFFFE00  }
0x1fb: {  	s14 =	sadd.s32 $0x1, s14  }
0x1fc: {  	p0 =	sne.s32 s14, s8  }
.Ltmp17:
0x1fd: {  	_ = 	snop;
	(pc) =	sbr.rel @p0 .LBB2_1-.Ltmp17, $1  }
0x1fe: {  	_ =	sdelay $0x3  }
0x1ff: {  	_ =	sfence.sel $0x180000  }
0x200: {  	[bflag:$0x0] =	sbarrier.arrive $0xFFFF  }
0x201: {  	p0 =	sne.s32 s1, $0x0;
	_ =	strace $0x90000047  }
0x202: {  	s0 =	sadd.s32 @!p0 $0x100000, s0;
	[bflag:$0x2] =	sbarrier.arrive $0xFFFF  }
0x203: {  	[sflag:s0] =	ssyncadd.tile.s32 @!p0 $0x1;
	_ =	shalt  }
.Lfunc_end2:
_tile_overlayer_lowered:
.L_overlay_start_2:
0x204: {  	(tag) =	ssettag $0x2  }
0x205: {  	s0 =	rddreg [dreg:$0x0];
	s2 =	stileid.u32  }
0x206: {  	s1 =	rddreg [dreg:$0x1];
	p0 =	sne.s32 s2, $0x0  }
0x207: {  	s3 =	rddreg [dreg:$0x2];
	[bflag:$0x3] =	sbarrier.arrive $0xFFFF;
	s2 =	simm.s32 @!p0 $0x1C01  }
0x208: {  	[timem:s3], [sflag:s2] =	dma.local @!p0 [hbm:s0], s1  }
0x209: {  	s0 =	simm.s32 @!p0 $0x1  }
0x20a: {  	_ =	swait.ge @!p0 [sflag:s0], s1  }
0x20b: {  	s1 =	ssub.s32 @!p0 $0x0, s1;
	[sflag:s0] =	ssyncset.done @!p0 $0x0  }
0x20c: {  	[sflag:s0] =	ssyncadd.s32 @!p0 s1  }
0x20d: {  	[bflag:$0x3] =	sbarrier.arrive $0xFFFF  }
0x20e: {  	_ =	shalt  }

</sc_bundles>
